<compile_context>
chip_gen: v7x
topology: tpu7x:2x2x1
jax: 0.10.2.dev20260603
libtpu: 0.0.44.dev20260713+nightly
codegen_flags: <defaults>
</compile_context>

<pallas_src>
import functools

import jax
import jax.numpy as jnp
from jax import lax
from jax.experimental import pallas as pl
from jax.experimental.pallas import tpu as pltpu
from jax.experimental.pallas import tpu_sc as plsc

N = 10000
D = 128
K = 48
NP = 10240
ROWS_PER_W = 320
NUM_VREGS = 625
GRP = 5
NUM_GRPS = 125
BLK = 8


RBLK = 80


def _rank_body(A_ref, r_ref, deg_ref):
    a = A_ref[...] != 0.0
    inc = jnp.where(a, 1, 0)
    s = 1
    while s < N:
        sh = jnp.concatenate(
            [jnp.zeros((RBLK, s), jnp.int32), inc[:, :N - s]], axis=1)
        inc = inc + sh
        s *= 2
    r_ref[...] = jnp.where(a, inc, 0)
    deg_ref[...] = inc[:, N - 1:N]


def _tc_rank(A):
    return pl.pallas_call(
        _rank_body,
        grid=(N // RBLK,),
        in_specs=[pl.BlockSpec((RBLK, N), lambda i: (i, 0))],
        out_specs=[
            pl.BlockSpec((RBLK, N), lambda i: (i, 0)),
            pl.BlockSpec((RBLK, 1), lambda i: (i, 0)),
        ],
        out_shape=[
            jax.ShapeDtypeStruct((N, N), jnp.int32),
            jax.ShapeDtypeStruct((N, 1), jnp.int32),
        ],
    )(A)


def _sc_extract_gather(r32, x):
    info = plsc.get_sparse_core_info()
    nc = info.num_cores
    mesh = plsc.VectorSubcoreMesh(core_axis_name="c", subcore_axis_name="s")

    @functools.partial(
        pl.kernel,
        mesh=mesh,
        compiler_params=pltpu.CompilerParams(needs_layout_passes=False),
        out_type=jax.ShapeDtypeStruct((NP, K, D), jnp.float32),
        scratch_types=[
            pltpu.VMEM((N,), jnp.int32),
            pltpu.VMEM((64,), jnp.int32),
            pltpu.VMEM((64, D), jnp.float32),
            pltpu.SemaphoreType.DMA,
        ],
    )
    def sc_kernel(r_hbm, x_hbm, nf_out, row_v, nbr_v, rows_v, sem):
        wid = lax.axis_index("s") * nc + lax.axis_index("c")
        base = wid * ROWS_PER_W
        lanes = lax.iota(jnp.int32, 16)
        zeros16 = jnp.zeros((16,), jnp.int32)
        for t in range(4):
            nbr_v[pl.ds(t * 16, 16)] = zeros16

        def row_body(r, _):
            row = base + r

            @pl.when(row < N)
            def _():
                pltpu.sync_copy(r_hbm.at[row], row_v)

                def vreg_body(t, lane_idx):
                    v = row_v[pl.ds(t * 16, 16)]
                    okm = (v > 0) & (v <= K)
                    pos = jnp.where(okm, v - 1, K + lanes)
                    plsc.store_scatter(nbr_v.at[pl.ds(0, 64)], [pos],
                                       lane_idx)
                    return lane_idx + 16

                lax.fori_loop(0, NUM_VREGS, vreg_body, lanes)
                pltpu.async_copy(x_hbm.at[nbr_v], rows_v, sem).wait()
                pltpu.sync_copy(rows_v.at[pl.ds(0, K)], nf_out.at[row])

            return 0

        lax.fori_loop(0, ROWS_PER_W, row_body, 0)

    return sc_kernel(r32, x)


def _tc_body(deg_ref, nf_ref, x_ref, W_ref, b_ref, out_ref, v_ref):
    deg = deg_ref[...]
    nf = nf_ref[...]
    xb = x_ref[...]
    pos = lax.broadcasted_iota(jnp.int32, (BLK, K), 1)
    degc = jnp.minimum(deg, K)
    valid = pos < degc
    m = jnp.maximum(jnp.where(deg > 5, (deg + 1) // 2, 1), 1)
    removed = ((pos + 1) % m) == 0
    keep = valid & jnp.logical_not(removed)
    nk = jnp.sum(keep.astype(jnp.int32), axis=1, keepdims=True)
    big = jnp.float32(1e30)
    keepf = keep.astype(jnp.float32)[:, :, None]
    v = nf * keepf + (1.0 - keepf) * big
    v_ref[...] = v
    maxd = jnp.max(degc)

    def cnt_body(k, carry):
        lt, le = carry
        vk = v_ref[:, pl.ds(k, 1), :]
        lt = lt + (vk < v).astype(jnp.float32)
        le = le + (vk <= v).astype(jnp.float32)
        return lt, le

    z = jnp.zeros((BLK, K, D), jnp.float32)
    lt, le = lax.fori_loop(0, maxd, cnt_body, (z, z))

    agg = jnp.zeros((BLK, D), jnp.float32)
    nkq = [(nk + 3) // 4 - 1, (nk + 1) // 2 - 1, (3 * nk + 3) // 4 - 1]
    for iq in nkq:
        iqf = jnp.where(nk > 0, iq, -1).astype(jnp.float32)[:, :, None]
        ind = ((lt <= iqf) & (iqf < le)).astype(jnp.float32)
        num = jnp.sum(v * ind, axis=1)
        den = jnp.sum(ind, axis=1)
        agg = agg + num / jnp.maximum(den, 1.0)
    agg = agg * jnp.float32(1.0 / 3.0)

    buf = 0.5 * agg + 0.5 * xb
    out = lax.dot_general(buf, W_ref[...], (((1,), (1,)), ((), ())),
                          preferred_element_type=jnp.float32)
    out_ref[...] = out + b_ref[...] + xb


def _tc_quantile_linear(nf, deg2d, x_pad, W, b_tile):
    grid = (NP // BLK,)
    return pl.pallas_call(
        _tc_body,
        grid=grid,
        in_specs=[
            pl.BlockSpec((BLK, 1), lambda i: (i, 0)),
            pl.BlockSpec((BLK, K, D), lambda i: (i, 0, 0)),
            pl.BlockSpec((BLK, D), lambda i: (i, 0)),
            pl.BlockSpec((D, D), lambda i: (0, 0)),
            pl.BlockSpec((BLK, D), lambda i: (0, 0)),
        ],
        out_specs=pl.BlockSpec((BLK, D), lambda i: (i, 0)),
        out_shape=jax.ShapeDtypeStruct((NP, D), jnp.float32),
        scratch_shapes=[pltpu.VMEM((BLK, K, D), jnp.float32)],
    )(deg2d, nf, x_pad, W, b_tile)


def kernel(x, A, W, b):
    r32, deg = _tc_rank(A)
    nf = _sc_extract_gather(r32, x)
    deg2d = jnp.pad(deg, ((0, NP - N), (0, 0)))
    x_pad = jnp.pad(x, ((0, NP - N), (0, 0)))
    b_tile = jnp.tile(b[None, :], (BLK, 1))
    out = _tc_quantile_linear(nf, deg2d, x_pad, W, b_tile)
    return out[:N]

# --- scband reference (transcript-rebuilt; emitter-appended) ---
"""Pipeline reference for scband-dilated-gcnlayer-37752762532629 (READ-ONLY COPY).

The authoritative reference and input builder live on the scoring server;
editing this copy changes nothing except your own understanding.
"""

import jax, jax.numpy as jnp
import numpy as np

N = 10000
D = 128
K = 48  # max-degree padding; deg ~ Binomial(N, 16/N), max over 10k nodes << 48
P_EDGE = 16.0 / 10000.0
T = 5
KK = 2
QUANTILES = [0.25, 0.5, 0.75]


def setup_inputs(seed: int = 0) -> dict:
    key = jax.random.key(seed)
    kx, ka, kw, kb = jax.random.split(key, 4)
    x = jax.random.normal(kx, (N, D), dtype=jnp.float32)
    # binary adjacency with avg degree 16 (fill='rand' thresholded to bernoulli)
    A = (jax.random.uniform(ka, (N, N)) < P_EDGE).astype(jnp.float32)
    lim = 1.0 / np.sqrt(D)
    W = jax.random.uniform(kw, (D, D), minval=-lim, maxval=lim, dtype=jnp.float32)
    b = jax.random.uniform(kb, (D,), minval=-lim, maxval=lim, dtype=jnp.float32)
    return {"x": x, "A": A, "W": W, "b": b}


def reference(x, A, W, b):
    mask = (A != 0)
    deg = mask.sum(axis=1).astype(jnp.int32)
    # neighbor indices, ascending (lax.top_k breaks ties toward lower indices,
    # matching torch nonzero's ascending order); padded to K
    _, nbr = jax.lax.top_k(mask.astype(jnp.float32), K)
    pos = jnp.arange(K, dtype=jnp.int32)[None, :]
    valid = pos < deg[:, None]
    # skip_step: m_i = ceil(deg/k) if deg > T else 1 (exponential_dilation=False, layer_idx=1)
    m = jnp.where(deg > T, jnp.ceil(deg / KK).astype(jnp.int32), jnp.int32(1))
    removed = ((pos + 1) % m[:, None]) == 0
    keep = valid & (~removed)
    n_keep = keep.sum(axis=1).astype(jnp.int32)
    # gather neighbor features and sort kept entries per feature column
    nf = x[nbr]  # [N, K, D]
    big = jnp.float32(1e30)
    s = jnp.sort(jnp.where(keep[:, :, None], nf, big), axis=1)
    w_q = 1.0 / len(QUANTILES)
    agg = jnp.zeros_like(x)
    nk_f = n_keep.astype(jnp.float32)
    for q in QUANTILES:
        iq = jnp.maximum(jnp.ceil(q * nk_f).astype(jnp.int32) - 1, 0)
        sel = jnp.take_along_axis(s, iq[:, None, None], axis=1)[:, 0, :]
        agg = agg + w_q * sel
    # empty keep-set -> zero aggregator (matches torch early return)
    agg = jnp.where((n_keep > 0)[:, None], agg, 0.0)
    # self-feature mixing: self_ratio = 0.5
    buf = 0.5 * agg + 0.5 * x
    out = buf @ W.T + b
    # residual enabled since in_dim == out_dim
    out = out + x
    return out

if __name__ == "__main__":
    import jax
    _d = setup_inputs()
    print(jax.jit(kernel)(*tuple(_d.values())))

</pallas_src>

<mosaic_0001>
#map = affine_map<(d0, d1) -> (0, 0)>
#map1 = affine_map<(d0, d1) -> (0, 0, 0)>
module attributes {stable_mosaic.version = 14 : i64} {
  func.func @sc_kernel(%arg0: i32, %arg1: i32, %arg2: memref<10000x10000xi32, #tpu.memory_space<hbm>>, %arg3: memref<10000x128xf32, #tpu.memory_space<hbm>>, %arg4: memref<10240x48x128xf32, #tpu.memory_space<hbm>>, %arg5: memref<10000xi32, #tpu.memory_space<vmem>>, %arg6: memref<64xi32, #tpu.memory_space<vmem>>, %arg7: memref<64x128xf32, #tpu.memory_space<vmem>>, %arg8: memref<!tpu.dma_semaphore, #tpu.memory_space<semaphore_mem>>) attributes {dimension_semantics = [#tpu.dimension_semantics<core_parallel>, #tpu.dimension_semantics<subcore_parallel>], iteration_bounds = array<i64: 2, 16>, scalar_prefetch = 0 : i64, scratch_operands = 4 : i64, tpu.core_type = #tpu.core_type<sc_vector_subcore>, window_params = [{transform_indices = #map}, {transform_indices = #map}, {transform_indices = #map1}]} {
    %mul3A = arith.constant 2 : i32
    %mul3A_0 = arith.muli %arg1, %mul3A : i32
    %add3A = arith.addi %mul3A_0, %arg0 : i32
    %mul3A_1 = arith.constant 320 : i32
    %mul3A_2 = arith.muli %add3A, %mul3A_1 : i32
    %iota3A = tpu.iota {dimensions = array<i32: 0>} : vector<16xi32>
    %broadcast_in_dim3A = arith.constant 0 : i32
    %broadcast_in_dim3A_3 = vector.broadcast %broadcast_in_dim3A : i32 to vector<16xi32>
    %swap3A = arith.constant 0 : index
    %swap3A_4 = tpu.vector_load %arg6[%swap3A] {strides = array<i32>} : memref<64xi32, #tpu.memory_space<vmem>>, vector<16xi32>,
    tpu.vector_store %arg6[%swap3A], %broadcast_in_dim3A_3 {strides = array<i32>} : memref<64xi32, #tpu.memory_space<vmem>>, vector<16xi32>,
    %swap3A_5 = arith.constant 16 : index
    %swap3A_6 = tpu.vector_load %arg6[%swap3A_5] {strides = array<i32>} : memref<64xi32, #tpu.memory_space<vmem>>, vector<16xi32>,
    tpu.vector_store %arg6[%swap3A_5], %broadcast_in_dim3A_3 {strides = array<i32>} : memref<64xi32, #tpu.memory_space<vmem>>, vector<16xi32>,
    %swap3A_7 = arith.constant 32 : index
    %swap3A_8 = tpu.vector_load %arg6[%swap3A_7] {strides = array<i32>} : memref<64xi32, #tpu.memory_space<vmem>>, vector<16xi32>,
    tpu.vector_store %arg6[%swap3A_7], %broadcast_in_dim3A_3 {strides = array<i32>} : memref<64xi32, #tpu.memory_space<vmem>>, vector<16xi32>,
    %swap3A_9 = arith.constant 48 : index
    %swap3A_10 = tpu.vector_load %arg6[%swap3A_9] {strides = array<i32>} : memref<64xi32, #tpu.memory_space<vmem>>, vector<16xi32>,
    tpu.vector_store %arg6[%swap3A_9], %broadcast_in_dim3A_3 {strides = array<i32>} : memref<64xi32, #tpu.memory_space<vmem>>, vector<16xi32>,
    %scan3A = arith.constant 0 : i32
    %scan3A_11 = arith.constant 0 : i32
    %scan3A_12 = arith.constant 320 : i32
    %scan3A_13 = arith.addi %scan3A_11, %scan3A_12 : i32
    %scan3A_14 = arith.constant 1 : i32
    %scan3A_15 = scf.for %scan3A_17 = %scan3A_11 to %scan3A_13 step %scan3A_14 iter_args(%scan3A_18 = %scan3A) -> (i32)  : i32 {
      %add3A_19 = arith.addi %mul3A_2, %scan3A_17 : i32
      %lt3A = arith.constant 10000 : i32
      %lt3A_20 = arith.cmpi slt, %add3A_19, %lt3A : i32
      %convert_element_type3A = arith.extui %lt3A_20 : i1 to i32
      %cond3A = arith.constant 0 : i32
      %cond3A_21 = arith.cmpi ne, %convert_element_type3A, %cond3A : i32
      scf.if %cond3A_21 {
        "tpu.region"() ({
          %run_scoped3A = tpu.sem_alloc : memref<!tpu.dma_semaphore, #tpu.memory_space<semaphore_mem>>
          %dma_start3A_33 = arith.constant 0 : i32
          %dma_start3A_34 = tpu.memref_slice %arg2[%add3A_19, %dma_start3A_33] : memref<10000x10000xi32, #tpu.memory_space<hbm>> -> memref<1x10000xi32, #tpu.memory_space<hbm>>
          %dma_start3A_35 = tpu.memref_squeeze %dma_start3A_34 : memref<1x10000xi32, #tpu.memory_space<hbm>> -> memref<10000xi32, #tpu.memory_space<hbm>>
          %dma_start3A_36 = arith.constant 0 : i32
          %dma_start3A_37 = tpu.memref_slice %arg2[%add3A_19, %dma_start3A_36] : memref<10000x10000xi32, #tpu.memory_space<hbm>> -> memref<1x10000xi32, #tpu.memory_space<hbm>>
          %dma_start3A_38 = tpu.memref_squeeze %dma_start3A_37 : memref<1x10000xi32, #tpu.memory_space<hbm>> -> memref<10000xi32, #tpu.memory_space<hbm>>
          tpu.enqueue_dma source(%dma_start3A_38 : memref<10000xi32, #tpu.memory_space<hbm>>) target(%arg5 : memref<10000xi32, #tpu.memory_space<vmem>>) target_semaphore(%run_scoped3A : memref<!tpu.dma_semaphore, #tpu.memory_space<semaphore_mem>>)
          %dma_wait3A_39 = arith.constant 0 : i32
          %dma_wait3A_40 = tpu.memref_slice %arg2[%add3A_19, %dma_wait3A_39] : memref<10000x10000xi32, #tpu.memory_space<hbm>> -> memref<1x10000xi32, #tpu.memory_space<hbm>>
          %dma_wait3A_41 = tpu.memref_squeeze %dma_wait3A_40 : memref<1x10000xi32, #tpu.memory_space<hbm>> -> memref<10000xi32, #tpu.memory_space<hbm>>
          %dma_wait3A_42 = arith.constant 0 : i32
          %dma_wait3A_43 = tpu.memref_slice %arg2[%add3A_19, %dma_wait3A_42] : memref<10000x10000xi32, #tpu.memory_space<hbm>> -> memref<1x10000xi32, #tpu.memory_space<hbm>>
          %dma_wait3A_44 = tpu.memref_squeeze %dma_wait3A_43 : memref<1x10000xi32, #tpu.memory_space<hbm>> -> memref<10000xi32, #tpu.memory_space<hbm>>
          tpu.wait_dma2 semaphore(%run_scoped3A : memref<!tpu.dma_semaphore, #tpu.memory_space<semaphore_mem>>) src(%dma_wait3A_44 : memref<10000xi32, #tpu.memory_space<hbm>>) dst(%arg5 : memref<10000xi32, #tpu.memory_space<vmem>>)
          tpu.yield
        }) : () -> ()
        %scan3A_23 = arith.constant 0 : i32
        %scan3A_24 = arith.constant 625 : i32
        %scan3A_25 = arith.addi %scan3A_23, %scan3A_24 : i32
        %scan3A_26 = arith.constant 1 : i32
        %scan3A_27 = scf.for %scan3A_33 = %scan3A_23 to %scan3A_25 step %scan3A_26 iter_args(%scan3A_34 = %iota3A) -> (vector<16xi32>)  : i32 {
          %mul3A_35 = arith.constant 16 : i32
          %mul3A_36 = arith.muli %scan3A_33, %mul3A_35 : i32
          %get3A = arith.index_cast %mul3A_36 : i32 to index
          %get3A_37 = tpu.vector_load %arg5[%get3A] {strides = array<i32>} : memref<10000xi32, #tpu.memory_space<vmem>>, vector<16xi32>,
          %gt3A = arith.constant 0 : i32
          %gt3A_38 = vector.broadcast %gt3A : i32 to vector<16xi32>
          %gt3A_39 = arith.cmpi sgt, %get3A_37, %gt3A_38 : vector<16xi32>
          %le3A = arith.constant 48 : i32
          %le3A_40 = vector.broadcast %le3A : i32 to vector<16xi32>
          %le3A_41 = arith.cmpi sle, %get3A_37, %le3A_40 : vector<16xi32>
          %and3A = arith.andi %gt3A_39, %le3A_41 : vector<16xi1>
          %sub3A = arith.constant 1 : i32
          %sub3A_42 = vector.broadcast %sub3A : i32 to vector<16xi32>
          %sub3A_43 = arith.subi %get3A_37, %sub3A_42 : vector<16xi32>
          %add3A_44 = arith.constant 48 : i32
          %add3A_45 = vector.broadcast %add3A_44 : i32 to vector<16xi32>
          %add3A_46 = arith.addi %add3A_45, %iota3A : vector<16xi32>
          %select_n3A = arith.select %and3A, %sub3A_43, %add3A_46 : vector<16xi1>, vector<16xi32>
          %scatter3A = arith.constant 0 : i32
          %scatter3A_47 = tpu.memref_slice %arg6[%scatter3A] : memref<64xi32, #tpu.memory_space<vmem>> -> memref<64xi32, #tpu.memory_space<vmem>>
          tpu.vector_store_idx %scatter3A_47[%select_n3A], %scan3A_34 : memref<64xi32, #tpu.memory_space<vmem>>[vector<16xi32>], vector<16xi32>,
          %add3A_48 = arith.constant 16 : i32
          %add3A_49 = vector.broadcast %add3A_48 : i32 to vector<16xi32>
          %add3A_50 = arith.addi %scan3A_34, %add3A_49 : vector<16xi32>
          scf.yield %add3A_50 : vector<16xi32>
        }
        %scan3A_28 = arith.constant 625 : i32
        %dma_start3A = arith.constant 0 : i32
        %dma_start3A_29 = arith.constant 0 : i32
        %dma_start3A_30 = tpu.memref_slice %arg3[%dma_start3A, %dma_start3A_29] : memref<10000x128xf32, #tpu.memory_space<hbm>> -> memref<10000x128xf32, #tpu.memory_space<hbm>>
        tpu.enqueue_indirect_dma source(%dma_start3A_30 : memref<10000x128xf32, #tpu.memory_space<hbm>>) target(%arg7 : memref<64x128xf32, #tpu.memory_space<vmem>>) offsets(%arg6 : memref<64xi32, #tpu.memory_space<vmem>>) semaphore(%arg8 : memref<!tpu.dma_semaphore, #tpu.memory_space<semaphore_mem>>)
        %dma_wait3A = arith.constant 0 : i32
        %dma_wait3A_31 = arith.constant 0 : i32
        %dma_wait3A_32 = tpu.memref_slice %arg3[%dma_wait3A, %dma_wait3A_31] : memref<10000x128xf32, #tpu.memory_space<hbm>> -> memref<10000x128xf32, #tpu.memory_space<hbm>>
        tpu.wait_indirect_dma semaphore(%arg8 : memref<!tpu.dma_semaphore, #tpu.memory_space<semaphore_mem>>) src(%dma_wait3A_32 : memref<10000x128xf32, #tpu.memory_space<hbm>>) dst(%arg7 : memref<64x128xf32, #tpu.memory_space<vmem>>)
        "tpu.region"() ({
          %run_scoped3A = tpu.sem_alloc : memref<!tpu.dma_semaphore, #tpu.memory_space<semaphore_mem>>
          %dma_start3A_33 = arith.constant 0 : i32
          %dma_start3A_34 = arith.constant 0 : i32
          %dma_start3A_35 = tpu.memref_slice %arg7[%dma_start3A_33, %dma_start3A_34] : memref<64x128xf32, #tpu.memory_space<vmem>> -> memref<48x128xf32, #tpu.memory_space<vmem>>
          %dma_start3A_36 = arith.constant 0 : i32
          %dma_start3A_37 = arith.constant 0 : i32
          %dma_start3A_38 = tpu.memref_slice %arg4[%add3A_19, %dma_start3A_36, %dma_start3A_37] : memref<10240x48x128xf32, #tpu.memory_space<hbm>> -> memref<1x48x128xf32, #tpu.memory_space<hbm>>
          %dma_start3A_39 = tpu.memref_squeeze %dma_start3A_38 : memref<1x48x128xf32, #tpu.memory_space<hbm>> -> memref<48x128xf32, #tpu.memory_space<hbm>>
          %dma_start3A_40 = arith.constant 0 : i32
          %dma_start3A_41 = arith.constant 0 : i32
          %dma_start3A_42 = tpu.memref_slice %arg4[%add3A_19, %dma_start3A_40, %dma_start3A_41] : memref<10240x48x128xf32, #tpu.memory_space<hbm>> -> memref<1x48x128xf32, #tpu.memory_space<hbm>>
          %dma_start3A_43 = tpu.memref_squeeze %dma_start3A_42 : memref<1x48x128xf32, #tpu.memory_space<hbm>> -> memref<48x128xf32, #tpu.memory_space<hbm>>
          %dma_start3A_44 = arith.constant 0 : i32
          %dma_start3A_45 = arith.constant 0 : i32
          %dma_start3A_46 = tpu.memref_slice %arg7[%dma_start3A_44, %dma_start3A_45] : memref<64x128xf32, #tpu.memory_space<vmem>> -> memref<48x128xf32, #tpu.memory_space<vmem>>
          tpu.enqueue_dma source(%dma_start3A_46 : memref<48x128xf32, #tpu.memory_space<vmem>>) target(%dma_start3A_43 : memref<48x128xf32, #tpu.memory_space<hbm>>) target_semaphore(%run_scoped3A : memref<!tpu.dma_semaphore, #tpu.memory_space<semaphore_mem>>)
          %dma_wait3A_47 = arith.constant 0 : i32
          %dma_wait3A_48 = arith.constant 0 : i32
          %dma_wait3A_49 = tpu.memref_slice %arg7[%dma_wait3A_47, %dma_wait3A_48] : memref<64x128xf32, #tpu.memory_space<vmem>> -> memref<48x128xf32, #tpu.memory_space<vmem>>
          %dma_wait3A_50 = arith.constant 0 : i32
          %dma_wait3A_51 = arith.constant 0 : i32
          %dma_wait3A_52 = tpu.memref_slice %arg4[%add3A_19, %dma_wait3A_50, %dma_wait3A_51] : memref<10240x48x128xf32, #tpu.memory_space<hbm>> -> memref<1x48x128xf32, #tpu.memory_space<hbm>>
          %dma_wait3A_53 = tpu.memref_squeeze %dma_wait3A_52 : memref<1x48x128xf32, #tpu.memory_space<hbm>> -> memref<48x128xf32, #tpu.memory_space<hbm>>
          %dma_wait3A_54 = arith.constant 0 : i32
          %dma_wait3A_55 = arith.constant 0 : i32
          %dma_wait3A_56 = tpu.memref_slice %arg4[%add3A_19, %dma_wait3A_54, %dma_wait3A_55] : memref<10240x48x128xf32, #tpu.memory_space<hbm>> -> memref<1x48x128xf32, #tpu.memory_space<hbm>>
          %dma_wait3A_57 = tpu.memref_squeeze %dma_wait3A_56 : memref<1x48x128xf32, #tpu.memory_space<hbm>> -> memref<48x128xf32, #tpu.memory_space<hbm>>
          %dma_wait3A_58 = arith.constant 0 : i32
          %dma_wait3A_59 = arith.constant 0 : i32
          %dma_wait3A_60 = tpu.memref_slice %arg7[%dma_wait3A_58, %dma_wait3A_59] : memref<64x128xf32, #tpu.memory_space<vmem>> -> memref<48x128xf32, #tpu.memory_space<vmem>>
          tpu.wait_dma2 semaphore(%run_scoped3A : memref<!tpu.dma_semaphore, #tpu.memory_space<semaphore_mem>>) src(%dma_wait3A_60 : memref<48x128xf32, #tpu.memory_space<vmem>>) dst(%dma_wait3A_57 : memref<48x128xf32, #tpu.memory_space<hbm>>)
          tpu.yield
        }) : () -> ()
      } else {
      }
      %scan3A_22 = arith.constant 0 : i32
      scf.yield %scan3A_22 : i32
    }
    %scan3A_16 = arith.constant 320 : i32
    return
  }
}

module attributes {stable_mosaic.version = 14 : i64} {
  func.func @_rank_body(%arg0: i32, %arg1: memref<80x10000xf32, #tpu.memory_space<vmem>>, %arg2: memref<80x10000xi32, #tpu.memory_space<vmem>>, %arg3: memref<80x1xi32, #tpu.memory_space<vmem>>) attributes {dimension_semantics = [#tpu.dimension_semantics<arbitrary>], iteration_bounds = array<i64: 125>, scalar_prefetch = 0 : i64, scratch_operands = 0 : i64, tpu.core_type = #tpu.core_type<tc>, window_params = [{transform_indices = @transform_0, window_bounds = array<i64: 80, 10000>}, {transform_indices = @transform_1, window_bounds = array<i64: 80, 10000>}, {transform_indices = @transform_2, window_bounds = array<i64: 80, 1>}]} {
    %get3A = arith.constant 0 : index
    %get3A_0 = arith.constant 0 : index
    %get3A_1 = vector.load %arg1[%get3A, %get3A_0] : memref<80x10000xf32, #tpu.memory_space<vmem>>, vector<80x10000xf32>
    %ne3A = arith.constant 0.000000e+00 : f32
    %ne3A_2 = vector.broadcast %ne3A : f32 to vector<80x10000xf32>
    %ne3A_3 = arith.cmpf one, %get3A_1, %ne3A_2 : vector<80x10000xf32>
    %jit3A = arith.constant 1 : i32
    %jit3A_4 = arith.constant 0 : i32
    %broadcast_in_dim3A = vector.broadcast %jit3A : i32 to vector<80x10000xi32>
    %broadcast_in_dim3A_5 = vector.broadcast %jit3A_4 : i32 to vector<80x10000xi32>
    %select_n3A = arith.select %ne3A_3, %broadcast_in_dim3A, %broadcast_in_dim3A_5 : vector<80x10000xi1>, vector<80x10000xi32>
    %broadcast_in_dim3A_6 = arith.constant 0 : i32
    %broadcast_in_dim3A_7 = vector.broadcast %broadcast_in_dim3A_6 : i32 to vector<80x1xi32>
    %slice3A = vector.extract_strided_slice %select_n3A {offsets = [0, 0], sizes = [80, 9999], strides = [1, 1]} : vector<80x10000xi32> to vector<80x9999xi32>
    %concatenate3A = tpu.concatenate %broadcast_in_dim3A_7, %slice3A in 1 : vector<80x1xi32>, vector<80x9999xi32> -> vector<80x10000xi32>
    %add3A = arith.addi %select_n3A, %concatenate3A : vector<80x10000xi32>
    %broadcast_in_dim3A_8 = arith.constant 0 : i32
    %broadcast_in_dim3A_9 = vector.broadcast %broadcast_in_dim3A_8 : i32 to vector<80x2xi32>
    %slice3A_10 = vector.extract_strided_slice %add3A {offsets = [0, 0], sizes = [80, 9998], strides = [1, 1]} : vector<80x10000xi32> to vector<80x9998xi32>
    %concatenate3A_11 = tpu.concatenate %broadcast_in_dim3A_9, %slice3A_10 in 1 : vector<80x2xi32>, vector<80x9998xi32> -> vector<80x10000xi32>
    %add3A_12 = arith.addi %add3A, %concatenate3A_11 : vector<80x10000xi32>
    %broadcast_in_dim3A_13 = arith.constant 0 : i32
    %broadcast_in_dim3A_14 = vector.broadcast %broadcast_in_dim3A_13 : i32 to vector<80x4xi32>
    %slice3A_15 = vector.extract_strided_slice %add3A_12 {offsets = [0, 0], sizes = [80, 9996], strides = [1, 1]} : vector<80x10000xi32> to vector<80x9996xi32>
    %concatenate3A_16 = tpu.concatenate %broadcast_in_dim3A_14, %slice3A_15 in 1 : vector<80x4xi32>, vector<80x9996xi32> -> vector<80x10000xi32>
    %add3A_17 = arith.addi %add3A_12, %concatenate3A_16 : vector<80x10000xi32>
    %broadcast_in_dim3A_18 = arith.constant 0 : i32
    %broadcast_in_dim3A_19 = vector.broadcast %broadcast_in_dim3A_18 : i32 to vector<80x8xi32>
    %slice3A_20 = vector.extract_strided_slice %add3A_17 {offsets = [0, 0], sizes = [80, 9992], strides = [1, 1]} : vector<80x10000xi32> to vector<80x9992xi32>
    %concatenate3A_21 = tpu.concatenate %broadcast_in_dim3A_19, %slice3A_20 in 1 : vector<80x8xi32>, vector<80x9992xi32> -> vector<80x10000xi32>
    %add3A_22 = arith.addi %add3A_17, %concatenate3A_21 : vector<80x10000xi32>
    %broadcast_in_dim3A_23 = arith.constant 0 : i32
    %broadcast_in_dim3A_24 = vector.broadcast %broadcast_in_dim3A_23 : i32 to vector<80x16xi32>
    %slice3A_25 = vector.extract_strided_slice %add3A_22 {offsets = [0, 0], sizes = [80, 9984], strides = [1, 1]} : vector<80x10000xi32> to vector<80x9984xi32>
    %concatenate3A_26 = tpu.concatenate %broadcast_in_dim3A_24, %slice3A_25 in 1 : vector<80x16xi32>, vector<80x9984xi32> -> vector<80x10000xi32>
    %add3A_27 = arith.addi %add3A_22, %concatenate3A_26 : vector<80x10000xi32>
    %broadcast_in_dim3A_28 = arith.constant 0 : i32
    %broadcast_in_dim3A_29 = vector.broadcast %broadcast_in_dim3A_28 : i32 to vector<80x32xi32>
    %slice3A_30 = vector.extract_strided_slice %add3A_27 {offsets = [0, 0], sizes = [80, 9968], strides = [1, 1]} : vector<80x10000xi32> to vector<80x9968xi32>
    %concatenate3A_31 = tpu.concatenate %broadcast_in_dim3A_29, %slice3A_30 in 1 : vector<80x32xi32>, vector<80x9968xi32> -> vector<80x10000xi32>
    %add3A_32 = arith.addi %add3A_27, %concatenate3A_31 : vector<80x10000xi32>
    %broadcast_in_dim3A_33 = arith.constant 0 : i32
    %broadcast_in_dim3A_34 = vector.broadcast %broadcast_in_dim3A_33 : i32 to vector<80x64xi32>
    %slice3A_35 = vector.extract_strided_slice %add3A_32 {offsets = [0, 0], sizes = [80, 9936], strides = [1, 1]} : vector<80x10000xi32> to vector<80x9936xi32>
    %concatenate3A_36 = tpu.concatenate %broadcast_in_dim3A_34, %slice3A_35 in 1 : vector<80x64xi32>, vector<80x9936xi32> -> vector<80x10000xi32>
    %add3A_37 = arith.addi %add3A_32, %concatenate3A_36 : vector<80x10000xi32>
    %broadcast_in_dim3A_38 = arith.constant 0 : i32
    %broadcast_in_dim3A_39 = vector.broadcast %broadcast_in_dim3A_38 : i32 to vector<80x128xi32>
    %slice3A_40 = vector.extract_strided_slice %add3A_37 {offsets = [0, 0], sizes = [80, 9872], strides = [1, 1]} : vector<80x10000xi32> to vector<80x9872xi32>
    %concatenate3A_41 = tpu.concatenate %broadcast_in_dim3A_39, %slice3A_40 in 1 : vector<80x128xi32>, vector<80x9872xi32> -> vector<80x10000xi32>
    %add3A_42 = arith.addi %add3A_37, %concatenate3A_41 : vector<80x10000xi32>
    %broadcast_in_dim3A_43 = arith.constant 0 : i32
    %broadcast_in_dim3A_44 = vector.broadcast %broadcast_in_dim3A_43 : i32 to vector<80x256xi32>
    %slice3A_45 = vector.extract_strided_slice %add3A_42 {offsets = [0, 0], sizes = [80, 9744], strides = [1, 1]} : vector<80x10000xi32> to vector<80x9744xi32>
    %concatenate3A_46 = tpu.concatenate %broadcast_in_dim3A_44, %slice3A_45 in 1 : vector<80x256xi32>, vector<80x9744xi32> -> vector<80x10000xi32>
    %add3A_47 = arith.addi %add3A_42, %concatenate3A_46 : vector<80x10000xi32>
    %broadcast_in_dim3A_48 = arith.constant 0 : i32
    %broadcast_in_dim3A_49 = vector.broadcast %broadcast_in_dim3A_48 : i32 to vector<80x512xi32>
    %slice3A_50 = vector.extract_strided_slice %add3A_47 {offsets = [0, 0], sizes = [80, 9488], strides = [1, 1]} : vector<80x10000xi32> to vector<80x9488xi32>
    %concatenate3A_51 = tpu.concatenate %broadcast_in_dim3A_49, %slice3A_50 in 1 : vector<80x512xi32>, vector<80x9488xi32> -> vector<80x10000xi32>
    %add3A_52 = arith.addi %add3A_47, %concatenate3A_51 : vector<80x10000xi32>
    %broadcast_in_dim3A_53 = arith.constant 0 : i32
    %broadcast_in_dim3A_54 = vector.broadcast %broadcast_in_dim3A_53 : i32 to vector<80x1024xi32>
    %slice3A_55 = vector.extract_strided_slice %add3A_52 {offsets = [0, 0], sizes = [80, 8976], strides = [1, 1]} : vector<80x10000xi32> to vector<80x8976xi32>
    %concatenate3A_56 = tpu.concatenate %broadcast_in_dim3A_54, %slice3A_55 in 1 : vector<80x1024xi32>, vector<80x8976xi32> -> vector<80x10000xi32>
    %add3A_57 = arith.addi %add3A_52, %concatenate3A_56 : vector<80x10000xi32>
    %broadcast_in_dim3A_58 = arith.constant 0 : i32
    %broadcast_in_dim3A_59 = vector.broadcast %broadcast_in_dim3A_58 : i32 to vector<80x2048xi32>
    %slice3A_60 = vector.extract_strided_slice %add3A_57 {offsets = [0, 0], sizes = [80, 7952], strides = [1, 1]} : vector<80x10000xi32> to vector<80x7952xi32>
    %concatenate3A_61 = tpu.concatenate %broadcast_in_dim3A_59, %slice3A_60 in 1 : vector<80x2048xi32>, vector<80x7952xi32> -> vector<80x10000xi32>
    %add3A_62 = arith.addi %add3A_57, %concatenate3A_61 : vector<80x10000xi32>
    %broadcast_in_dim3A_63 = arith.constant 0 : i32
    %broadcast_in_dim3A_64 = vector.broadcast %broadcast_in_dim3A_63 : i32 to vector<80x4096xi32>
    %slice3A_65 = vector.extract_strided_slice %add3A_62 {offsets = [0, 0], sizes = [80, 5904], strides = [1, 1]} : vector<80x10000xi32> to vector<80x5904xi32>
    %concatenate3A_66 = tpu.concatenate %broadcast_in_dim3A_64, %slice3A_65 in 1 : vector<80x4096xi32>, vector<80x5904xi32> -> vector<80x10000xi32>
    %add3A_67 = arith.addi %add3A_62, %concatenate3A_66 : vector<80x10000xi32>
    %broadcast_in_dim3A_68 = arith.constant 0 : i32
    %broadcast_in_dim3A_69 = vector.broadcast %broadcast_in_dim3A_68 : i32 to vector<80x8192xi32>
    %slice3A_70 = vector.extract_strided_slice %add3A_67 {offsets = [0, 0], sizes = [80, 1808], strides = [1, 1]} : vector<80x10000xi32> to vector<80x1808xi32>
    %concatenate3A_71 = tpu.concatenate %broadcast_in_dim3A_69, %slice3A_70 in 1 : vector<80x8192xi32>, vector<80x1808xi32> -> vector<80x10000xi32>
    %add3A_72 = arith.addi %add3A_67, %concatenate3A_71 : vector<80x10000xi32>
    %jit3A_73 = arith.constant 0 : i32
    %broadcast_in_dim3A_74 = vector.broadcast %jit3A_73 : i32 to vector<80x10000xi32>
    %select_n3A_75 = arith.select %ne3A_3, %add3A_72, %broadcast_in_dim3A_74 : vector<80x10000xi1>, vector<80x10000xi32>
    %swap3A = arith.constant 0 : index
    %swap3A_76 = arith.constant 0 : index
    %swap3A_77 = vector.load %arg2[%swap3A, %swap3A_76] : memref<80x10000xi32, #tpu.memory_space<vmem>>, vector<80x10000xi32>
    tpu.vector_store %arg2[%swap3A, %swap3A_76], %select_n3A_75 {strides = array<i32>} : memref<80x10000xi32, #tpu.memory_space<vmem>>, vector<80x10000xi32>,
    %slice3A_78 = vector.extract_strided_slice %add3A_72 {offsets = [0, 9999], sizes = [80, 1], strides = [1, 1]} : vector<80x10000xi32> to vector<80x1xi32>
    %swap3A_79 = arith.constant 0 : index
    %swap3A_80 = arith.constant 0 : index
    %swap3A_81 = vector.load %arg3[%swap3A_79, %swap3A_80] : memref<80x1xi32, #tpu.memory_space<vmem>>, vector<80x1xi32>
    tpu.vector_store %arg3[%swap3A_79, %swap3A_80], %slice3A_78 {strides = array<i32>} : memref<80x1xi32, #tpu.memory_space<vmem>>, vector<80x1xi32>,
    return
  }
  func.func @transform_0(%arg0: i32) -> (i32, i32) {
    %c0_i32 = arith.constant 0 : i32
    %c0_i32_0 = arith.constant 0 : i32
    return %arg0, %c0_i32 : i32, i32
  }
  func.func @transform_1(%arg0: i32) -> (i32, i32) {
    %c0_i32 = arith.constant 0 : i32
    %c0_i32_0 = arith.constant 0 : i32
    return %arg0, %c0_i32 : i32, i32
  }
  func.func @transform_2(%arg0: i32) -> (i32, i32) {
    %c0_i32 = arith.constant 0 : i32
    %c0_i32_0 = arith.constant 0 : i32
    return %arg0, %c0_i32 : i32, i32
  }
}

module attributes {stable_mosaic.version = 14 : i64} {
  func.func @_tc_body(%arg0: i32, %arg1: memref<8x1xi32, #tpu.memory_space<vmem>>, %arg2: memref<8x48x128xf32, #tpu.memory_space<vmem>>, %arg3: memref<8x128xf32, #tpu.memory_space<vmem>>, %arg4: memref<128x128xf32, #tpu.memory_space<vmem>>, %arg5: memref<8x128xf32, #tpu.memory_space<vmem>>, %arg6: memref<8x128xf32, #tpu.memory_space<vmem>>, %arg7: memref<8x48x128xf32, #tpu.memory_space<vmem>>) attributes {dimension_semantics = [#tpu.dimension_semantics<arbitrary>], iteration_bounds = array<i64: 1280>, scalar_prefetch = 0 : i64, scratch_operands = 1 : i64, tpu.core_type = #tpu.core_type<tc>, window_params = [{transform_indices = @transform_0, window_bounds = array<i64: 8, 1>}, {transform_indices = @transform_1, window_bounds = array<i64: 8, 48, 128>}, {transform_indices = @transform_2, window_bounds = array<i64: 8, 128>}, {pipeline_mode = #tpu.pipeline_mode<synchronous>, transform_indices = @transform_3, window_bounds = array<i64: 128, 128>}, {pipeline_mode = #tpu.pipeline_mode<synchronous>, transform_indices = @transform_4, window_bounds = array<i64: 8, 128>}, {transform_indices = @transform_5, window_bounds = array<i64: 8, 128>}]} {
    %get3A = arith.constant 0 : index
    %get3A_0 = arith.constant 0 : index
    %get3A_1 = vector.load %arg1[%get3A, %get3A_0] : memref<8x1xi32, #tpu.memory_space<vmem>>, vector<8x1xi32>
    %get3A_2 = arith.constant 0 : index
    %get3A_3 = arith.constant 0 : index
    %get3A_4 = arith.constant 0 : index
    %get3A_5 = vector.load %arg2[%get3A_2, %get3A_3, %get3A_4] : memref<8x48x128xf32, #tpu.memory_space<vmem>>, vector<8x48x128xf32>
    %get3A_6 = arith.constant 0 : index
    %get3A_7 = arith.constant 0 : index
    %get3A_8 = vector.load %arg3[%get3A_6, %get3A_7] : memref<8x128xf32, #tpu.memory_space<vmem>>, vector<8x128xf32>
    %iota3A = tpu.iota {dimensions = array<i32: 1>} : vector<8x48xi32>
    %min3A = arith.constant 48 : i32
    %min3A_9 = vector.broadcast %min3A : i32 to vector<8x1xi32>
    %min3A_10 = arith.minsi %get3A_1, %min3A_9 : vector<8x1xi32>
    %lt3A = vector.broadcast %min3A_10 : vector<8x1xi32> to vector<8x48xi32>
    %lt3A_11 = arith.cmpi slt, %iota3A, %lt3A : vector<8x48xi32>
    %gt3A = arith.constant 5 : i32
    %gt3A_12 = vector.broadcast %gt3A : i32 to vector<8x1xi32>
    %gt3A_13 = arith.cmpi sgt, %get3A_1, %gt3A_12 : vector<8x1xi32>
    %add3A = arith.constant 1 : i32
    %add3A_14 = vector.broadcast %add3A : i32 to vector<8x1xi32>
    %add3A_15 = arith.addi %get3A_1, %add3A_14 : vector<8x1xi32>
    %jit3A = arith.constant 2 : i32
    %div3A = vector.broadcast %jit3A : i32 to vector<8x1xi32>
    %div3A_16 = arith.divsi %add3A_15, %div3A : vector<8x1xi32>
    %sign3A = arith.constant 0 : i32
    %sign3A_17 = vector.broadcast %sign3A : i32 to vector<8x1xi32>
    %sign3A_18 = arith.cmpi sgt, %add3A_15, %sign3A_17 : vector<8x1xi32>
    %sign3A_19 = arith.extui %sign3A_18 : vector<8x1xi1> to vector<8x1xi32>
    %sign3A_20 = arith.constant 0 : i32
    %sign3A_21 = vector.broadcast %sign3A_20 : i32 to vector<8x1xi32>
    %sign3A_22 = arith.cmpi slt, %add3A_15, %sign3A_21 : vector<8x1xi32>
    %sign3A_23 = arith.extui %sign3A_22 : vector<8x1xi1> to vector<8x1xi32>
    %sign3A_24 = arith.subi %sign3A_19, %sign3A_23 : vector<8x1xi32>
    %sign3A_25 = arith.constant 0 : i32
    %sign3A_26 = arith.cmpi sgt, %jit3A, %sign3A_25 : i32
    %sign3A_27 = arith.extui %sign3A_26 : i1 to i32
    %sign3A_28 = arith.constant 0 : i32
    %sign3A_29 = arith.cmpi slt, %jit3A, %sign3A_28 : i32
    %sign3A_30 = arith.extui %sign3A_29 : i1 to i32
    %sign3A_31 = arith.subi %sign3A_27, %sign3A_30 : i32
    %ne3A = vector.broadcast %sign3A_31 : i32 to vector<8x1xi32>
    %ne3A_32 = arith.cmpi ne, %sign3A_24, %ne3A : vector<8x1xi32>
    %rem3A = vector.broadcast %jit3A : i32 to vector<8x1xi32>
    %rem3A_33 = arith.remsi %add3A_15, %rem3A : vector<8x1xi32>
    %ne3A_34 = arith.constant 0 : i32
    %ne3A_35 = vector.broadcast %ne3A_34 : i32 to vector<8x1xi32>
    %ne3A_36 = arith.cmpi ne, %rem3A_33, %ne3A_35 : vector<8x1xi32>
    %and3A = arith.andi %ne3A_32, %ne3A_36 : vector<8x1xi1>
    %sub3A = arith.constant 1 : i32
    %sub3A_37 = vector.broadcast %sub3A : i32 to vector<8x1xi32>
    %sub3A_38 = arith.subi %div3A_16, %sub3A_37 : vector<8x1xi32>
    %select_n3A = arith.select %and3A, %sub3A_38, %div3A_16 : vector<8x1xi1>, vector<8x1xi32>
    %jit3A_39 = arith.constant 1 : i32
    %broadcast_in_dim3A = vector.broadcast %jit3A_39 : i32 to vector<8x1xi32>
    %select_n3A_40 = arith.select %gt3A_13, %select_n3A, %broadcast_in_dim3A : vector<8x1xi1>, vector<8x1xi32>
    %max3A = arith.constant 1 : i32
    %max3A_41 = vector.broadcast %max3A : i32 to vector<8x1xi32>
    %max3A_42 = arith.maxsi %select_n3A_40, %max3A_41 : vector<8x1xi32>
    %add3A_43 = arith.constant 1 : i32
    %add3A_44 = vector.broadcast %add3A_43 : i32 to vector<8x48xi32>
    %add3A_45 = arith.addi %iota3A, %add3A_44 : vector<8x48xi32>
    %eq3A = arith.constant 0 : i32
    %eq3A_46 = vector.broadcast %eq3A : i32 to vector<8x1xi32>
    %eq3A_47 = arith.cmpi eq, %max3A_42, %eq3A_46 : vector<8x1xi32>
    %broadcast_in_dim3A_48 = arith.constant 1 : i32
    %broadcast_in_dim3A_49 = vector.broadcast %broadcast_in_dim3A_48 : i32 to vector<8x1xi32>
    %select_n3A_50 = arith.select %eq3A_47, %broadcast_in_dim3A_49, %max3A_42 : vector<8x1xi1>, vector<8x1xi32>
    %rem3A_51 = vector.broadcast %select_n3A_50 : vector<8x1xi32> to vector<8x48xi32>
    %rem3A_52 = arith.remsi %add3A_45, %rem3A_51 : vector<8x48xi32>
    %ne3A_53 = arith.constant 0 : i32
    %ne3A_54 = vector.broadcast %ne3A_53 : i32 to vector<8x48xi32>
    %ne3A_55 = arith.cmpi ne, %rem3A_52, %ne3A_54 : vector<8x48xi32>
    %lt3A_56 = arith.constant 0 : i32
    %lt3A_57 = vector.broadcast %lt3A_56 : i32 to vector<8x48xi32>
    %lt3A_58 = arith.cmpi slt, %rem3A_52, %lt3A_57 : vector<8x48xi32>
    %lt3A_59 = arith.constant 0 : i32
    %lt3A_60 = vector.broadcast %lt3A_59 : i32 to vector<8x1xi32>
    %lt3A_61 = arith.cmpi slt, %select_n3A_50, %lt3A_60 : vector<8x1xi32>
    %ne3A_62 = vector.broadcast %lt3A_61 : vector<8x1xi1> to vector<8x48xi1>
    %ne3A_63 = vector.broadcast %ne3A_62 : vector<8x48xi1> to vector<8x48xi1>
    %ne3A_64 = arith.xori %lt3A_58, %ne3A_63 : vector<8x48xi1>
    %and3A_65 = arith.andi %ne3A_64, %ne3A_55 : vector<8x48xi1>
    %add3A_66 = vector.broadcast %select_n3A_50 : vector<8x1xi32> to vector<8x48xi32>
    %add3A_67 = arith.addi %rem3A_52, %add3A_66 : vector<8x48xi32>
    %select_n3A_68 = arith.select %and3A_65, %add3A_67, %rem3A_52 : vector<8x48xi1>, vector<8x48xi32>
    %eq3A_69 = arith.constant 0 : i32
    %eq3A_70 = vector.broadcast %eq3A_69 : i32 to vector<8x48xi32>
    %eq3A_71 = arith.cmpi eq, %select_n3A_68, %eq3A_70 : vector<8x48xi32>
    %not3A = arith.constant dense<true> : vector<8x48xi1>
    %not3A_72 = arith.xori %eq3A_71, %not3A : vector<8x48xi1>
    %and3A_73 = arith.andi %lt3A_11, %not3A_72 : vector<8x48xi1>
    %convert_element_type3A = arith.extui %and3A_73 : vector<8x48xi1> to vector<8x48xi32>
    %reduce_sum3A = arith.constant dense<0> : vector<8xi32>
    %reduce_sum3A_74 = vector.multi_reduction <add>, %convert_element_type3A, %reduce_sum3A [1] : vector<8x48xi32> to vector<8xi32>
    %broadcast_in_dim3A_75 = vector.shape_cast %reduce_sum3A_74 : vector<8xi32> to vector<8x1xi32>
    %convert_element_type3A_76 = arith.extui %and3A_73 : vector<8x48xi1> to vector<8x48xi32>
    %convert_element_type3A_77 = arith.sitofp %convert_element_type3A_76 : vector<8x48xi32> to vector<8x48xf32>
    %broadcast_in_dim3A_78 = vector.shape_cast %convert_element_type3A_77 : vector<8x48xf32> to vector<8x48x1xf32>
    %mul3A = vector.broadcast %broadcast_in_dim3A_78 : vector<8x48x1xf32> to vector<8x48x128xf32>
    %mul3A_79 = arith.mulf %get3A_5, %mul3A : vector<8x48x128xf32>
    %sub3A_80 = arith.constant 1.000000e+00 : f32
    %sub3A_81 = vector.broadcast %sub3A_80 : f32 to vector<8x48x1xf32>
    %sub3A_82 = arith.subf %sub3A_81, %broadcast_in_dim3A_78 : vector<8x48x1xf32>
    %mul3A_83 = arith.constant 1.000000e+30 : f32
    %mul3A_84 = vector.broadcast %mul3A_83 : f32 to vector<8x48x1xf32>
    %mul3A_85 = arith.mulf %sub3A_82, %mul3A_84 : vector<8x48x1xf32>
    %add3A_86 = vector.broadcast %mul3A_85 : vector<8x48x1xf32> to vector<8x48x128xf32>
    %add3A_87 = arith.addf %mul3A_79, %add3A_86 : vector<8x48x128xf32>
    %swap3A = arith.constant 0 : index
    %swap3A_88 = arith.constant 0 : index
    %swap3A_89 = arith.constant 0 : index
    %swap3A_90 = vector.load %arg7[%swap3A, %swap3A_88, %swap3A_89] : memref<8x48x128xf32, #tpu.memory_space<vmem>>, vector<8x48x128xf32>
    tpu.vector_store %arg7[%swap3A, %swap3A_88, %swap3A_89], %add3A_87 {strides = array<i32>} : memref<8x48x128xf32, #tpu.memory_space<vmem>>, vector<8x48x128xf32>,
    %reduce_max3A = vector.shape_cast %min3A_10 : vector<8x1xi32> to vector<1x8x1xi32>
    %reduce_max3A_91 = arith.constant dense<-2147483648> : vector<1xi32>
    %reduce_max3A_92 = vector.multi_reduction <maxsi>, %reduce_max3A, %reduce_max3A_91 [1, 2] : vector<1x8x1xi32> to vector<1xi32>
    %reduce_max3A_93 = vector.shape_cast %reduce_max3A_92 : vector<1xi32> to vector<1x1x1xi32>
    %reduce_max3A_94 = vector.extract %reduce_max3A_93[0, 0, 0] : i32 from vector<1x1x1xi32>
    %broadcast_in_dim3A_95 = arith.constant 0.000000e+00 : f32
    %broadcast_in_dim3A_96 = vector.broadcast %broadcast_in_dim3A_95 : f32 to vector<8x48x128xf32>
    %while3A = arith.constant 0 : i32
    %while3A_97 = arith.subi %reduce_max3A_94, %while3A : i32
    %while3A_98 = arith.addi %while3A, %while3A_97 : i32
    %while3A_99 = arith.constant 1 : i32
    %while3A_100 = arith.divsi %while3A_97, %while3A_99 : i32
    %while3A_101 = arith.muli %while3A_100, %while3A_99 : i32
    %while3A_102 = arith.addi %while3A, %while3A_101 : i32
    %while3A_103 = arith.constant 1 : i32
    %while3A_104:2 = scf.for %while3A_319 = %while3A to %while3A_102 step %while3A_103 iter_args(%while3A_320 = %broadcast_in_dim3A_96, %while3A_321 = %broadcast_in_dim3A_96) -> (vector<8x48x128xf32>, vector<8x48x128xf32>)  : i32 {
      %get3A_322 = arith.constant 0 : index
      %get3A_323 = arith.index_cast %while3A_319 : i32 to index
      %get3A_324 = arith.constant 0 : index
      %get3A_325 = vector.load %arg7[%get3A_322, %get3A_323, %get3A_324] : memref<8x48x128xf32, #tpu.memory_space<vmem>>, vector<8x1x128xf32>
      %lt3A_326 = vector.broadcast %get3A_325 : vector<8x1x128xf32> to vector<8x48x128xf32>
      %lt3A_327 = arith.cmpf olt, %lt3A_326, %add3A_87 : vector<8x48x128xf32>
      %convert_element_type3A_328 = arith.extui %lt3A_327 : vector<8x48x128xi1> to vector<8x48x128xi32>
      %convert_element_type3A_329 = arith.sitofp %convert_element_type3A_328 : vector<8x48x128xi32> to vector<8x48x128xf32>
      %add3A_330 = arith.addf %while3A_320, %convert_element_type3A_329 : vector<8x48x128xf32>
      %le3A_331 = vector.broadcast %get3A_325 : vector<8x1x128xf32> to vector<8x48x128xf32>
      %le3A_332 = arith.cmpf ole, %le3A_331, %add3A_87 : vector<8x48x128xf32>
      %convert_element_type3A_333 = arith.extui %le3A_332 : vector<8x48x128xi1> to vector<8x48x128xi32>
      %convert_element_type3A_334 = arith.sitofp %convert_element_type3A_333 : vector<8x48x128xi32> to vector<8x48x128xf32>
      %add3A_335 = arith.addf %while3A_321, %convert_element_type3A_334 : vector<8x48x128xf32>
      scf.yield %add3A_330, %add3A_335 : vector<8x48x128xf32>, vector<8x48x128xf32>
    }
    %while3A_105 = arith.constant 1 : i32
    %while3A_106:2 = scf.for %while3A_319 = %while3A_102 to %while3A_98 step %while3A_105 iter_args(%while3A_320 = %while3A_104#0, %while3A_321 = %while3A_104#1) -> (vector<8x48x128xf32>, vector<8x48x128xf32>)  : i32 {
      %get3A_322 = arith.constant 0 : index
      %get3A_323 = arith.index_cast %while3A_319 : i32 to index
      %get3A_324 = arith.constant 0 : index
      %get3A_325 = vector.load %arg7[%get3A_322, %get3A_323, %get3A_324] : memref<8x48x128xf32, #tpu.memory_space<vmem>>, vector<8x1x128xf32>
      %lt3A_326 = vector.broadcast %get3A_325 : vector<8x1x128xf32> to vector<8x48x128xf32>
      %lt3A_327 = arith.cmpf olt, %lt3A_326, %add3A_87 : vector<8x48x128xf32>
      %convert_element_type3A_328 = arith.extui %lt3A_327 : vector<8x48x128xi1> to vector<8x48x128xi32>
      %convert_element_type3A_329 = arith.sitofp %convert_element_type3A_328 : vector<8x48x128xi32> to vector<8x48x128xf32>
      %add3A_330 = arith.addf %while3A_320, %convert_element_type3A_329 : vector<8x48x128xf32>
      %le3A_331 = vector.broadcast %get3A_325 : vector<8x1x128xf32> to vector<8x48x128xf32>
      %le3A_332 = arith.cmpf ole, %le3A_331, %add3A_87 : vector<8x48x128xf32>
      %convert_element_type3A_333 = arith.extui %le3A_332 : vector<8x48x128xi1> to vector<8x48x128xi32>
      %convert_element_type3A_334 = arith.sitofp %convert_element_type3A_333 : vector<8x48x128xi32> to vector<8x48x128xf32>
      %add3A_335 = arith.addf %while3A_321, %convert_element_type3A_334 : vector<8x48x128xf32>
      scf.yield %add3A_330, %add3A_335 : vector<8x48x128xf32>, vector<8x48x128xf32>
    }
    %broadcast_in_dim3A_107 = arith.constant 0.000000e+00 : f32
    %broadcast_in_dim3A_108 = vector.broadcast %broadcast_in_dim3A_107 : f32 to vector<8x128xf32>
    %add3A_109 = arith.constant 3 : i32
    %add3A_110 = vector.broadcast %add3A_109 : i32 to vector<8x1xi32>
    %add3A_111 = arith.addi %broadcast_in_dim3A_75, %add3A_110 : vector<8x1xi32>
    %jit3A_112 = arith.constant 4 : i32
    %div3A_113 = vector.broadcast %jit3A_112 : i32 to vector<8x1xi32>
    %div3A_114 = arith.divsi %add3A_111, %div3A_113 : vector<8x1xi32>
    %sign3A_115 = arith.constant 0 : i32
    %sign3A_116 = vector.broadcast %sign3A_115 : i32 to vector<8x1xi32>
    %sign3A_117 = arith.cmpi sgt, %add3A_111, %sign3A_116 : vector<8x1xi32>
    %sign3A_118 = arith.extui %sign3A_117 : vector<8x1xi1> to vector<8x1xi32>
    %sign3A_119 = arith.constant 0 : i32
    %sign3A_120 = vector.broadcast %sign3A_119 : i32 to vector<8x1xi32>
    %sign3A_121 = arith.cmpi slt, %add3A_111, %sign3A_120 : vector<8x1xi32>
    %sign3A_122 = arith.extui %sign3A_121 : vector<8x1xi1> to vector<8x1xi32>
    %sign3A_123 = arith.subi %sign3A_118, %sign3A_122 : vector<8x1xi32>
    %sign3A_124 = arith.constant 0 : i32
    %sign3A_125 = arith.cmpi sgt, %jit3A_112, %sign3A_124 : i32
    %sign3A_126 = arith.extui %sign3A_125 : i1 to i32
    %sign3A_127 = arith.constant 0 : i32
    %sign3A_128 = arith.cmpi slt, %jit3A_112, %sign3A_127 : i32
    %sign3A_129 = arith.extui %sign3A_128 : i1 to i32
    %sign3A_130 = arith.subi %sign3A_126, %sign3A_129 : i32
    %ne3A_131 = vector.broadcast %sign3A_130 : i32 to vector<8x1xi32>
    %ne3A_132 = arith.cmpi ne, %sign3A_123, %ne3A_131 : vector<8x1xi32>
    %rem3A_133 = vector.broadcast %jit3A_112 : i32 to vector<8x1xi32>
    %rem3A_134 = arith.remsi %add3A_111, %rem3A_133 : vector<8x1xi32>
    %ne3A_135 = arith.constant 0 : i32
    %ne3A_136 = vector.broadcast %ne3A_135 : i32 to vector<8x1xi32>
    %ne3A_137 = arith.cmpi ne, %rem3A_134, %ne3A_136 : vector<8x1xi32>
    %and3A_138 = arith.andi %ne3A_132, %ne3A_137 : vector<8x1xi1>
    %sub3A_139 = arith.constant 1 : i32
    %sub3A_140 = vector.broadcast %sub3A_139 : i32 to vector<8x1xi32>
    %sub3A_141 = arith.subi %div3A_114, %sub3A_140 : vector<8x1xi32>
    %select_n3A_142 = arith.select %and3A_138, %sub3A_141, %div3A_114 : vector<8x1xi1>, vector<8x1xi32>
    %sub3A_143 = arith.constant 1 : i32
    %sub3A_144 = vector.broadcast %sub3A_143 : i32 to vector<8x1xi32>
    %sub3A_145 = arith.subi %select_n3A_142, %sub3A_144 : vector<8x1xi32>
    %add3A_146 = arith.constant 1 : i32
    %add3A_147 = vector.broadcast %add3A_146 : i32 to vector<8x1xi32>
    %add3A_148 = arith.addi %broadcast_in_dim3A_75, %add3A_147 : vector<8x1xi32>
    %jit3A_149 = arith.constant 2 : i32
    %div3A_150 = vector.broadcast %jit3A_149 : i32 to vector<8x1xi32>
    %div3A_151 = arith.divsi %add3A_148, %div3A_150 : vector<8x1xi32>
    %sign3A_152 = arith.constant 0 : i32
    %sign3A_153 = vector.broadcast %sign3A_152 : i32 to vector<8x1xi32>
    %sign3A_154 = arith.cmpi sgt, %add3A_148, %sign3A_153 : vector<8x1xi32>
    %sign3A_155 = arith.extui %sign3A_154 : vector<8x1xi1> to vector<8x1xi32>
    %sign3A_156 = arith.constant 0 : i32
    %sign3A_157 = vector.broadcast %sign3A_156 : i32 to vector<8x1xi32>
    %sign3A_158 = arith.cmpi slt, %add3A_148, %sign3A_157 : vector<8x1xi32>
    %sign3A_159 = arith.extui %sign3A_158 : vector<8x1xi1> to vector<8x1xi32>
    %sign3A_160 = arith.subi %sign3A_155, %sign3A_159 : vector<8x1xi32>
    %sign3A_161 = arith.constant 0 : i32
    %sign3A_162 = arith.cmpi sgt, %jit3A_149, %sign3A_161 : i32
    %sign3A_163 = arith.extui %sign3A_162 : i1 to i32
    %sign3A_164 = arith.constant 0 : i32
    %sign3A_165 = arith.cmpi slt, %jit3A_149, %sign3A_164 : i32
    %sign3A_166 = arith.extui %sign3A_165 : i1 to i32
    %sign3A_167 = arith.subi %sign3A_163, %sign3A_166 : i32
    %ne3A_168 = vector.broadcast %sign3A_167 : i32 to vector<8x1xi32>
    %ne3A_169 = arith.cmpi ne, %sign3A_160, %ne3A_168 : vector<8x1xi32>
    %rem3A_170 = vector.broadcast %jit3A_149 : i32 to vector<8x1xi32>
    %rem3A_171 = arith.remsi %add3A_148, %rem3A_170 : vector<8x1xi32>
    %ne3A_172 = arith.constant 0 : i32
    %ne3A_173 = vector.broadcast %ne3A_172 : i32 to vector<8x1xi32>
    %ne3A_174 = arith.cmpi ne, %rem3A_171, %ne3A_173 : vector<8x1xi32>
    %and3A_175 = arith.andi %ne3A_169, %ne3A_174 : vector<8x1xi1>
    %sub3A_176 = arith.constant 1 : i32
    %sub3A_177 = vector.broadcast %sub3A_176 : i32 to vector<8x1xi32>
    %sub3A_178 = arith.subi %div3A_151, %sub3A_177 : vector<8x1xi32>
    %select_n3A_179 = arith.select %and3A_175, %sub3A_178, %div3A_151 : vector<8x1xi1>, vector<8x1xi32>
    %sub3A_180 = arith.constant 1 : i32
    %sub3A_181 = vector.broadcast %sub3A_180 : i32 to vector<8x1xi32>
    %sub3A_182 = arith.subi %select_n3A_179, %sub3A_181 : vector<8x1xi32>
    %mul3A_183 = arith.constant 3 : i32
    %mul3A_184 = vector.broadcast %mul3A_183 : i32 to vector<8x1xi32>
    %mul3A_185 = arith.muli %mul3A_184, %broadcast_in_dim3A_75 : vector<8x1xi32>
    %add3A_186 = arith.constant 3 : i32
    %add3A_187 = vector.broadcast %add3A_186 : i32 to vector<8x1xi32>
    %add3A_188 = arith.addi %mul3A_185, %add3A_187 : vector<8x1xi32>
    %jit3A_189 = arith.constant 4 : i32
    %div3A_190 = vector.broadcast %jit3A_189 : i32 to vector<8x1xi32>
    %div3A_191 = arith.divsi %add3A_188, %div3A_190 : vector<8x1xi32>
    %sign3A_192 = arith.constant 0 : i32
    %sign3A_193 = vector.broadcast %sign3A_192 : i32 to vector<8x1xi32>
    %sign3A_194 = arith.cmpi sgt, %add3A_188, %sign3A_193 : vector<8x1xi32>
    %sign3A_195 = arith.extui %sign3A_194 : vector<8x1xi1> to vector<8x1xi32>
    %sign3A_196 = arith.constant 0 : i32
    %sign3A_197 = vector.broadcast %sign3A_196 : i32 to vector<8x1xi32>
    %sign3A_198 = arith.cmpi slt, %add3A_188, %sign3A_197 : vector<8x1xi32>
    %sign3A_199 = arith.extui %sign3A_198 : vector<8x1xi1> to vector<8x1xi32>
    %sign3A_200 = arith.subi %sign3A_195, %sign3A_199 : vector<8x1xi32>
    %sign3A_201 = arith.constant 0 : i32
    %sign3A_202 = arith.cmpi sgt, %jit3A_189, %sign3A_201 : i32
    %sign3A_203 = arith.extui %sign3A_202 : i1 to i32
    %sign3A_204 = arith.constant 0 : i32
    %sign3A_205 = arith.cmpi slt, %jit3A_189, %sign3A_204 : i32
    %sign3A_206 = arith.extui %sign3A_205 : i1 to i32
    %sign3A_207 = arith.subi %sign3A_203, %sign3A_206 : i32
    %ne3A_208 = vector.broadcast %sign3A_207 : i32 to vector<8x1xi32>
    %ne3A_209 = arith.cmpi ne, %sign3A_200, %ne3A_208 : vector<8x1xi32>
    %rem3A_210 = vector.broadcast %jit3A_189 : i32 to vector<8x1xi32>
    %rem3A_211 = arith.remsi %add3A_188, %rem3A_210 : vector<8x1xi32>
    %ne3A_212 = arith.constant 0 : i32
    %ne3A_213 = vector.broadcast %ne3A_212 : i32 to vector<8x1xi32>
    %ne3A_214 = arith.cmpi ne, %rem3A_211, %ne3A_213 : vector<8x1xi32>
    %and3A_215 = arith.andi %ne3A_209, %ne3A_214 : vector<8x1xi1>
    %sub3A_216 = arith.constant 1 : i32
    %sub3A_217 = vector.broadcast %sub3A_216 : i32 to vector<8x1xi32>
    %sub3A_218 = arith.subi %div3A_191, %sub3A_217 : vector<8x1xi32>
    %select_n3A_219 = arith.select %and3A_215, %sub3A_218, %div3A_191 : vector<8x1xi1>, vector<8x1xi32>
    %sub3A_220 = arith.constant 1 : i32
    %sub3A_221 = vector.broadcast %sub3A_220 : i32 to vector<8x1xi32>
    %sub3A_222 = arith.subi %select_n3A_219, %sub3A_221 : vector<8x1xi32>
    %gt3A_223 = arith.constant 0 : i32
    %gt3A_224 = vector.broadcast %gt3A_223 : i32 to vector<8x1xi32>
    %gt3A_225 = arith.cmpi sgt, %broadcast_in_dim3A_75, %gt3A_224 : vector<8x1xi32>
    %jit3A_226 = arith.constant -1 : i32
    %broadcast_in_dim3A_227 = vector.broadcast %jit3A_226 : i32 to vector<8x1xi32>
    %select_n3A_228 = arith.select %gt3A_225, %sub3A_145, %broadcast_in_dim3A_227 : vector<8x1xi1>, vector<8x1xi32>
    %convert_element_type3A_229 = arith.sitofp %select_n3A_228 : vector<8x1xi32> to vector<8x1xf32>
    %broadcast_in_dim3A_230 = vector.shape_cast %convert_element_type3A_229 : vector<8x1xf32> to vector<8x1x1xf32>
    %le3A = vector.broadcast %broadcast_in_dim3A_230 : vector<8x1x1xf32> to vector<8x48x128xf32>
    %le3A_231 = arith.cmpf ole, %while3A_106#0, %le3A : vector<8x48x128xf32>
    %lt3A_232 = vector.broadcast %broadcast_in_dim3A_230 : vector<8x1x1xf32> to vector<8x48x128xf32>
    %lt3A_233 = arith.cmpf olt, %lt3A_232, %while3A_106#1 : vector<8x48x128xf32>
    %and3A_234 = arith.andi %le3A_231, %lt3A_233 : vector<8x48x128xi1>
    %convert_element_type3A_235 = arith.extui %and3A_234 : vector<8x48x128xi1> to vector<8x48x128xi32>
    %convert_element_type3A_236 = arith.sitofp %convert_element_type3A_235 : vector<8x48x128xi32> to vector<8x48x128xf32>
    %mul3A_237 = arith.mulf %add3A_87, %convert_element_type3A_236 : vector<8x48x128xf32>
    %reduce_sum3A_238 = arith.constant dense<0.000000e+00> : vector<8x128xf32>
    %reduce_sum3A_239 = vector.multi_reduction <add>, %mul3A_237, %reduce_sum3A_238 [1] : vector<8x48x128xf32> to vector<8x128xf32>
    %reduce_sum3A_240 = arith.constant dense<0.000000e+00> : vector<8x128xf32>
    %reduce_sum3A_241 = vector.multi_reduction <add>, %convert_element_type3A_236, %reduce_sum3A_240 [1] : vector<8x48x128xf32> to vector<8x128xf32>
    %max3A_242 = arith.constant 1.000000e+00 : f32
    %max3A_243 = vector.broadcast %max3A_242 : f32 to vector<8x128xf32>
    %max3A_244 = arith.maximumf %reduce_sum3A_241, %max3A_243 : vector<8x128xf32>
    %div3A_245 = arith.divf %reduce_sum3A_239, %max3A_244 : vector<8x128xf32>
    %add3A_246 = arith.addf %broadcast_in_dim3A_108, %div3A_245 : vector<8x128xf32>
    %gt3A_247 = arith.constant 0 : i32
    %gt3A_248 = vector.broadcast %gt3A_247 : i32 to vector<8x1xi32>
    %gt3A_249 = arith.cmpi sgt, %broadcast_in_dim3A_75, %gt3A_248 : vector<8x1xi32>
    %jit3A_250 = arith.constant -1 : i32
    %broadcast_in_dim3A_251 = vector.broadcast %jit3A_250 : i32 to vector<8x1xi32>
    %select_n3A_252 = arith.select %gt3A_249, %sub3A_182, %broadcast_in_dim3A_251 : vector<8x1xi1>, vector<8x1xi32>
    %convert_element_type3A_253 = arith.sitofp %select_n3A_252 : vector<8x1xi32> to vector<8x1xf32>
    %broadcast_in_dim3A_254 = vector.shape_cast %convert_element_type3A_253 : vector<8x1xf32> to vector<8x1x1xf32>
    %le3A_255 = vector.broadcast %broadcast_in_dim3A_254 : vector<8x1x1xf32> to vector<8x48x128xf32>
    %le3A_256 = arith.cmpf ole, %while3A_106#0, %le3A_255 : vector<8x48x128xf32>
    %lt3A_257 = vector.broadcast %broadcast_in_dim3A_254 : vector<8x1x1xf32> to vector<8x48x128xf32>
    %lt3A_258 = arith.cmpf olt, %lt3A_257, %while3A_106#1 : vector<8x48x128xf32>
    %and3A_259 = arith.andi %le3A_256, %lt3A_258 : vector<8x48x128xi1>
    %convert_element_type3A_260 = arith.extui %and3A_259 : vector<8x48x128xi1> to vector<8x48x128xi32>
    %convert_element_type3A_261 = arith.sitofp %convert_element_type3A_260 : vector<8x48x128xi32> to vector<8x48x128xf32>
    %mul3A_262 = arith.mulf %add3A_87, %convert_element_type3A_261 : vector<8x48x128xf32>
    %reduce_sum3A_263 = arith.constant dense<0.000000e+00> : vector<8x128xf32>
    %reduce_sum3A_264 = vector.multi_reduction <add>, %mul3A_262, %reduce_sum3A_263 [1] : vector<8x48x128xf32> to vector<8x128xf32>
    %reduce_sum3A_265 = arith.constant dense<0.000000e+00> : vector<8x128xf32>
    %reduce_sum3A_266 = vector.multi_reduction <add>, %convert_element_type3A_261, %reduce_sum3A_265 [1] : vector<8x48x128xf32> to vector<8x128xf32>
    %max3A_267 = arith.constant 1.000000e+00 : f32
    %max3A_268 = vector.broadcast %max3A_267 : f32 to vector<8x128xf32>
    %max3A_269 = arith.maximumf %reduce_sum3A_266, %max3A_268 : vector<8x128xf32>
    %div3A_270 = arith.divf %reduce_sum3A_264, %max3A_269 : vector<8x128xf32>
    %add3A_271 = arith.addf %add3A_246, %div3A_270 : vector<8x128xf32>
    %gt3A_272 = arith.constant 0 : i32
    %gt3A_273 = vector.broadcast %gt3A_272 : i32 to vector<8x1xi32>
    %gt3A_274 = arith.cmpi sgt, %broadcast_in_dim3A_75, %gt3A_273 : vector<8x1xi32>
    %jit3A_275 = arith.constant -1 : i32
    %broadcast_in_dim3A_276 = vector.broadcast %jit3A_275 : i32 to vector<8x1xi32>
    %select_n3A_277 = arith.select %gt3A_274, %sub3A_222, %broadcast_in_dim3A_276 : vector<8x1xi1>, vector<8x1xi32>
    %convert_element_type3A_278 = arith.sitofp %select_n3A_277 : vector<8x1xi32> to vector<8x1xf32>
    %broadcast_in_dim3A_279 = vector.shape_cast %convert_element_type3A_278 : vector<8x1xf32> to vector<8x1x1xf32>
    %le3A_280 = vector.broadcast %broadcast_in_dim3A_279 : vector<8x1x1xf32> to vector<8x48x128xf32>
    %le3A_281 = arith.cmpf ole, %while3A_106#0, %le3A_280 : vector<8x48x128xf32>
    %lt3A_282 = vector.broadcast %broadcast_in_dim3A_279 : vector<8x1x1xf32> to vector<8x48x128xf32>
    %lt3A_283 = arith.cmpf olt, %lt3A_282, %while3A_106#1 : vector<8x48x128xf32>
    %and3A_284 = arith.andi %le3A_281, %lt3A_283 : vector<8x48x128xi1>
    %convert_element_type3A_285 = arith.extui %and3A_284 : vector<8x48x128xi1> to vector<8x48x128xi32>
    %convert_element_type3A_286 = arith.sitofp %convert_element_type3A_285 : vector<8x48x128xi32> to vector<8x48x128xf32>
    %mul3A_287 = arith.mulf %add3A_87, %convert_element_type3A_286 : vector<8x48x128xf32>
    %reduce_sum3A_288 = arith.constant dense<0.000000e+00> : vector<8x128xf32>
    %reduce_sum3A_289 = vector.multi_reduction <add>, %mul3A_287, %reduce_sum3A_288 [1] : vector<8x48x128xf32> to vector<8x128xf32>
    %reduce_sum3A_290 = arith.constant dense<0.000000e+00> : vector<8x128xf32>
    %reduce_sum3A_291 = vector.multi_reduction <add>, %convert_element_type3A_286, %reduce_sum3A_290 [1] : vector<8x48x128xf32> to vector<8x128xf32>
    %max3A_292 = arith.constant 1.000000e+00 : f32
    %max3A_293 = vector.broadcast %max3A_292 : f32 to vector<8x128xf32>
    %max3A_294 = arith.maximumf %reduce_sum3A_291, %max3A_293 : vector<8x128xf32>
    %div3A_295 = arith.divf %reduce_sum3A_289, %max3A_294 : vector<8x128xf32>
    %add3A_296 = arith.addf %add3A_271, %div3A_295 : vector<8x128xf32>
    %mul3A_297 = arith.constant 0.333333343 : f32
    %mul3A_298 = vector.broadcast %mul3A_297 : f32 to vector<8x128xf32>
    %mul3A_299 = arith.mulf %add3A_296, %mul3A_298 : vector<8x128xf32>
    %mul3A_300 = arith.constant 5.000000e-01 : f32
    %mul3A_301 = vector.broadcast %mul3A_300 : f32 to vector<8x128xf32>
    %mul3A_302 = arith.mulf %mul3A_301, %mul3A_299 : vector<8x128xf32>
    %mul3A_303 = arith.constant 5.000000e-01 : f32
    %mul3A_304 = vector.broadcast %mul3A_303 : f32 to vector<8x128xf32>
    %mul3A_305 = arith.mulf %mul3A_304, %get3A_8 : vector<8x128xf32>
    %add3A_306 = arith.addf %mul3A_302, %mul3A_305 : vector<8x128xf32>
    %get3A_307 = arith.constant 0 : index
    %get3A_308 = arith.constant 0 : index
    %get3A_309 = vector.load %arg4[%get3A_307, %get3A_308] : memref<128x128xf32, #tpu.memory_space<vmem>>, vector<128x128xf32>
    %dot_general3A = arith.constant dense<0.000000e+00> : vector<8x128xf32>
    %dot_general3A_310 = tpu.matmul %add3A_306, %get3A_309, %dot_general3A {dimension_numbers = #tpu.dot_dimension_numbers<[1], [1], [0], [0], [0, 0, 1, 0], [], []>, transpose_lhs_hint = false} : vector<8x128xf32>, vector<128x128xf32>, vector<8x128xf32> -> vector<8x128xf32>
    %get3A_311 = arith.constant 0 : index
    %get3A_312 = arith.constant 0 : index
    %get3A_313 = vector.load %arg5[%get3A_311, %get3A_312] : memref<8x128xf32, #tpu.memory_space<vmem>>, vector<8x128xf32>
    %add3A_314 = arith.addf %dot_general3A_310, %get3A_313 : vector<8x128xf32>
    %add3A_315 = arith.addf %add3A_314, %get3A_8 : vector<8x128xf32>
    %swap3A_316 = arith.constant 0 : index
    %swap3A_317 = arith.constant 0 : index
    %swap3A_318 = vector.load %arg6[%swap3A_316, %swap3A_317] : memref<8x128xf32, #tpu.memory_space<vmem>>, vector<8x128xf32>
    tpu.vector_store %arg6[%swap3A_316, %swap3A_317], %add3A_315 {strides = array<i32>} : memref<8x128xf32, #tpu.memory_space<vmem>>, vector<8x128xf32>,
    return
  }
  func.func @transform_0(%arg0: i32) -> (i32, i32) {
    %c0_i32 = arith.constant 0 : i32
    %c0_i32_0 = arith.constant 0 : i32
    return %arg0, %c0_i32 : i32, i32
  }
  func.func @transform_1(%arg0: i32) -> (i32, i32, i32) {
    %c0_i32 = arith.constant 0 : i32
    %c0_i32_0 = arith.constant 0 : i32
    %c0_i32_1 = arith.constant 0 : i32
    return %arg0, %c0_i32, %c0_i32_0 : i32, i32, i32
  }
  func.func @transform_2(%arg0: i32) -> (i32, i32) {
    %c0_i32 = arith.constant 0 : i32
    %c0_i32_0 = arith.constant 0 : i32
    return %arg0, %c0_i32 : i32, i32
  }
  func.func @transform_3(%arg0: i32) -> (i32, i32) {
    %c0_i32 = arith.constant 0 : i32
    %c0_i32_0 = arith.constant 0 : i32
    %c0_i32_1 = arith.constant 0 : i32
    return %c0_i32, %c0_i32_0 : i32, i32
  }
  func.func @transform_4(%arg0: i32) -> (i32, i32) {
    %c0_i32 = arith.constant 0 : i32
    %c0_i32_0 = arith.constant 0 : i32
    %c0_i32_1 = arith.constant 0 : i32
    return %c0_i32, %c0_i32_0 : i32, i32
  }
  func.func @transform_5(%arg0: i32) -> (i32, i32) {
    %c0_i32 = arith.constant 0 : i32
    %c0_i32_0 = arith.constant 0 : i32
    return %arg0, %c0_i32 : i32, i32
  }
}

</mosaic_0001>

<sc_bundles>
// kernel: kernel.5.cloned.1.call-start
scs
__scs_entry_jumppad:
0x0: {  	(pc) =	sbr.rel $0x88, $3  }
0x1: {  	(tag) =	ssettag $0x0;
	lr =	simm.s32 $0x1  }
0x2: {  	[smem:$0x3F9D] =	sst lr;
	_ =	strace $0xD0000000  }
0x3: {  	_ = 	snop  }
0x4: {  	_ = 	snop  }
0x5: {  	_ = 	snop  }
0x6: {  	_ = 	snop  }
0x7: {  	_ = 	snop  }
__scs_overlays_trampoline_lowered:
0x8: {  	[smem:$0x3FAC] =	sst s0  }
0x9: {  	[smem:$0x3FAD] =	sst s1  }
0xa: {  	[smem:$0x3FAE] =	sst s2  }
0xb: {  	[smem:$0x3FAF] =	sst s3  }
0xc: {  	[smem:$0x3FB0] =	sst s4  }
0xd: {  	[smem:$0x3FB1] =	sst s5  }
0xe: {  	[smem:$0x3FB2] =	sst s6  }
0xf: {  	[smem:$0x3FB3] =	sst s7  }
0x10: {  	[smem:$0x3FB4] =	sst s8  }
0x11: {  	[smem:$0x3FB5] =	sst s9;
	s0 =	simm.s32 @!p0 $0x0  }
0x12: {  	s1 =	sld [smem:$0x3F9B];
	s0 =	simm.s32 @p0 $0x1  }
0x13: {  	[smem:$0x3FB6] =	sst s0;
	s0 =	simm.s32 @!p1 $0x0  }
0x14: {  	s2 =	sld [smem:$0x3F9A];
	s0 =	simm.s32 @p1 $0x1  }
0x15: {  	[smem:$0x3FB7] =	sst s0;
	s0 =	simm.s32 @!p2 $0x0  }
0x16: {  	s3 =	sld [smem:$0x3FDB];
	s0 =	simm.s32 @p2 $0x1  }
0x17: {  	s4 =	simm.s32 $0x1BF5;
	[smem:$0x3FB9] =	sst s0  }
0x18: {  	s0 =	sld [smem:$0x3F9C];
	_ =	swait.ge [sflag:s4], $0x0  }
0x19: {  	s7 =	sld [smem:$0x3F9D]  }
0x1a: {  	s8 =	sadd.s32 $0xFFFFE003, lr  }
0x1b: {  	s9 =	sadd.s32 $0xFFFFFEF7, lr;
	s5 =	simm.s32 $0xFFFFFFFF;
	p2 =	slt.u32 s8, $0xFFFFF086  }
0x1c: {  	p1 =	slt.u32 s9, $0xF7A;
	s5 =	simm.s32 @!p2 $0x0  }
0x1d: {  	s5 =	simm.s32 @p1 $0x1;
	p0 =	seq.s32 s7, s2  }
0x1e: {  	s7 =	smul.u32 @!p0 $0xF7A, s2;
	p2 =	seq.s32 @!p0 s5, $0x0  }
0x1f: {  	s9 =	smul.u32 $0xF7A, s1;
	s8 =	simm.s32 @!p0 $0x1BF5;
	p2 =	por !p2, p0  }
0x20: {  	[sflag:s8] =	ssyncset.s32 @!p0 $0xFFFFF086;
	s6 =	sadd.s32 @!p0 s3, s7;
	s7 =	simm.s32 @!p0 $0x108  }
0x21: {  	s3 =	sadd.s32 s3, s9;
	s6 =	sadd.s32 @!p0 $0x88, s6;
	s7 =	simm.s32 @p2 $0x1082  }
0x22: {  	[simem:s7], [sflag:s8] =	dma.local @!p0 [hbm:s6], $0xF7A  }
0x23: {  	s9 =	sor.u32 $0xD0000000, s2;
	s6 =	simm.s32 $0x108;
	_ =	swait.ge @!p0 [sflag:s8], $0x0  }
0x24: {  	s3 =	sadd.s32 $0x88, s3;
	s6 =	simm.s32 @!p1 $0x1082;
	[sflag:s4] =	ssyncset.s32 $0xFFFFF086  }
0x25: {  	[simem:s6], [sflag:s4] =	dma.local [hbm:s3], $0xF7A  }
0x26: {  	[smem:$0x3F9D] =	sst s1;
	(tag) =	ssettag s2;
	_ =	strace s9  }
0x27: {  	s1 =	sld [smem:$0x3FAD]  }
0x28: {  	s2 =	sld [smem:$0x3FAE]  }
0x29: {  	s4 =	sld [smem:$0x3FB0]  }
0x2a: {  	p0 =	seq.s32 s5, $0x0;
	s5 =	sld [smem:$0x3FB1]  }
0x2b: {  	s6 =	sld [smem:$0x3FB2]  }
0x2c: {  	s7 =	sld [smem:$0x3FB3]  }
0x2d: {  	s3 =	simm.s32 $0x108;
	s8 =	sld [smem:$0x3FB4]  }
0x2e: {  	s3 =	simm.s32 @!p0 $0x1082;
	s9 =	sld [smem:$0x3FB5]  }
0x2f: {  	lr =	sadd.s32 s0, s3;
	s0 =	sld [smem:$0x3FAC]  }
0x30: {  	s3 =	sld [smem:$0x3FAF]  }
0x31: {  	[smem:$0x3FB8] =	sst s10  }
0x32: {  	s10 =	sld [smem:$0x3FB6];
	_ =	sdelay $0x3  }
0x33: {  	p0 =	seq.s32 s10, $0x1;
	s10 =	sld [smem:$0x3FB8];
	_ =	sdelay $0x3  }
0x34: {  	[smem:$0x3FB8] =	sst s10  }
0x35: {  	s10 =	sld [smem:$0x3FB7];
	_ =	sdelay $0x3  }
0x36: {  	p1 =	seq.s32 s10, $0x1;
	s10 =	sld [smem:$0x3FB8];
	_ =	sdelay $0x3  }
0x37: {  	[smem:$0x3FB8] =	sst s10  }
0x38: {  	s10 =	sld [smem:$0x3FB9]  }
0x39: {  	_ = 	snop;
	(pc) =	sbr.ind lr, $3  }
0x3a: {  	_ = 	snop  }
0x3b: {  	_ = 	snop  }
0x3c: {  	p2 =	seq.s32 s10, $0x1;
	s10 =	sld [smem:$0x3FB8]  }
0x3d: {  	_ =	shalt  }
0x3e: {  	_ =	shalt  }
0x3f: {  	_ =	shalt  }
0x40: {  	_ =	shalt  }
0x41: {  	_ =	shalt  }
0x42: {  	_ =	shalt  }
0x43: {  	_ =	shalt  }
0x44: {  	_ =	shalt  }
0x45: {  	_ =	shalt  }
0x46: {  	_ =	shalt  }
0x47: {  	_ =	shalt  }
0x48: {  	_ =	shalt  }
0x49: {  	_ =	shalt  }
0x4a: {  	_ =	shalt  }
0x4b: {  	_ =	shalt  }
0x4c: {  	_ =	shalt  }
0x4d: {  	_ =	shalt  }
0x4e: {  	_ =	shalt  }
0x4f: {  	_ =	shalt  }
0x50: {  	_ =	shalt  }
0x51: {  	_ =	shalt  }
0x52: {  	_ =	shalt  }
0x53: {  	_ =	shalt  }
0x54: {  	_ =	shalt  }
0x55: {  	_ =	shalt  }
0x56: {  	_ =	shalt  }
0x57: {  	_ =	shalt  }
0x58: {  	_ =	shalt  }
0x59: {  	_ =	shalt  }
0x5a: {  	_ =	shalt  }
0x5b: {  	_ =	shalt  }
0x5c: {  	_ =	shalt  }
0x5d: {  	_ =	shalt  }
0x5e: {  	_ =	shalt  }
0x5f: {  	_ =	shalt  }
0x60: {  	_ =	shalt  }
0x61: {  	_ =	shalt  }
0x62: {  	_ =	shalt  }
0x63: {  	_ =	shalt  }
0x64: {  	_ =	shalt  }
0x65: {  	_ =	shalt  }
0x66: {  	_ =	shalt  }
0x67: {  	_ =	shalt  }
0x68: {  	_ =	shalt  }
0x69: {  	_ =	shalt  }
0x6a: {  	_ =	shalt  }
0x6b: {  	_ =	shalt  }
0x6c: {  	_ =	shalt  }
0x6d: {  	_ =	shalt  }
0x6e: {  	_ =	shalt  }
0x6f: {  	_ =	shalt  }
0x70: {  	_ =	shalt  }
0x71: {  	_ =	shalt  }
0x72: {  	_ =	shalt  }
0x73: {  	_ =	shalt  }
0x74: {  	_ =	shalt  }
0x75: {  	_ =	shalt  }
0x76: {  	_ =	shalt  }
0x77: {  	_ =	shalt  }
0x78: {  	_ =	shalt  }
0x79: {  	_ =	shalt  }
0x7a: {  	_ =	shalt  }
0x7b: {  	_ =	shalt  }
0x7c: {  	_ =	shalt  }
0x7d: {  	_ =	shalt  }
0x7e: {  	_ =	shalt  }
0x7f: {  	_ =	shalt  }
0x80: {  	_ =	shalt  }
0x81: {  	_ =	shalt  }
0x82: {  	_ =	shalt  }
0x83: {  	_ =	shalt  }
0x84: {  	_ =	shalt  }
0x85: {  	_ =	shalt  }
0x86: {  	_ =	shalt  }
0x87: {  	_ =	shalt  }
.Lfunc_end0:
.L_simem_size_0:
called_computation_lowered:
.L_overlay_start_0:
0x88: {  	s2 =	sld [smem:$0x3FD9]  }
0x89: {  	s3 =	sld [smem:$0x3FFE];
	_ =	sdelay $0x1  }
0x8a: {  	s1 =	srdreg.scid  }
0x8b: {  	s0 =	sand.u32 $0x1, s1  }
0x8c: {  	s17 =	sshll.u32 s0, $0xA;
	s2 =	sadd.s32 s3, s2  }
0x8d: {  	s2 =	sadd.s32 s2, s17  }
0x8e: {  	[smem:$0x3FC4] =	sst s2  }
0x8f: {  	_ = 	snop  }
0x90: {  	s2 =	sld [smem:$0x3FC9];
	(tm) =	ssettm $0x1  }
0x91: {  	s18 =	sld [smem:$0x3FFB];
	_ =	sdelay $0x3  }
0x92: {  	_ =	strace s18  }
0x93: {  	s3 =	sld [smem:$0x3FFC];
	_ =	sdelay $0x3  }
0x94: {  	_ =	strace s3  }
0x95: {  	s3 =	sld [smem:$0x3FFD];
	_ =	sdelay $0x3  }
0x96: {  	_ =	strace s3  }
0x97: {  	_ =	strace $0x8FFFFFFF  }
0x98: {  	s19 =	sld [smem:$0x3FDB];
	_ =	sdelay $0x1  }
0x99: {  	s4 =	simm.s32 $_scs_section_size  }
0x9a: {  	s5 =	simm.s32 $_size__tile_overlayer_lowered;
	s6 =	simm.s32 $_tile_overlayer_lowered  }
0x9b: {  	s22 =	simm.s32 $0x1BFF;
	s21 =	sshll.u32 s6, $0x1;
	s3 =	sadd.s32 s4, s19  }
0x9c: {  	s7 =	simm.s32 $0x0;
	s20 =	sshll.u32 s5, $0x1;
	s5 =	sadd.s32 s21, s3  }
0x9d: {  	[timem:s7], [sflag:s22] =	dma.local [hbm:s5], s20  }
0x9e: {  	_ =	swait.ge [sflag:s22], s20  }
0x9f: {  	s4 =	ssub.s32 $0x0, s20;
	[sflag:s22] =	ssyncset.done $0x0  }
0xa0: {  	[sflag:s22] =	ssyncadd.s32 s4;
	_ =	sdelay $0x1  }
0xa1: {  	s23 =	simm.s32 $0x1B8B  }
0xa2: {  	_ =	swait.ge [sflag:s23], $0x1  }
0xa3: {  	[sflag:s23] =	ssyncset.done $0x0  }
0xa4: {  	s25 =	simm.s32 $0x1B8E;
	s24 =	sld [smem:$0x3FFE];
	[sflag:s23] =	ssyncadd.s32 $0xFFFFFFFF  }
0xa5: {  	s26 =	simm.s32 $execute0_lowered;
	[smem:$0x3FD2] =	sst s25  }
0xa6: {  	s5 =	sshll.u32 s26, $0x1;
	_ =	strace $0x80000046;
	[dreg:$0x1] =	wrdreg $0xFFFFFFFF  }
0xa7: {  	s28 =	simm.s32 $_size_execute0_lowered;
	s3 =	sadd.s32 s3, s5;
	[dreg:$0x0] =	wrdreg $0x0  }
0xa8: {  	s5 =	sshll.u32 s28, $0x1;
	[dreg:$0x2] =	wrdreg s3  }
0xa9: {  	[dreg:$0x3] =	wrdreg s5  }
0xaa: {  	[dreg:$0x4] =	wrdreg $0xC0  }
0xab: {  	_ =	task [dreg:s7], $0x5FFFF  }
0xac: {  	[dreg:$0x1] =	wrdreg $0xFFFFFFFF  }
0xad: {  	[dreg:$0x0] =	wrdreg $0x60  }
0xae: {  	[dreg:$0x2] =	wrdreg s24  }
0xaf: {  	[dreg:$0x3] =	wrdreg s2  }
0xb0: {  	[dreg:$0x4] =	wrdreg $0x9  }
0xb1: {  	_ =	task.clear_ibuf [dreg:s7], $0x5FFFF;
	_ =	strace $0x90000046  }
0xb2: {  	s29 =	simm.s32 $0x9;
	_ =	strace $0x80000048  }
0xb3: {  	_ =	swait.ge [sflag:s29], $0x1  }
0xb4: {  	[sflag:s29] =	ssyncadd.s32 $0xFFFFFFFF  }
0xb5: {  	_ =	strace $0x90000048  }
0xb6: {  	_ =	sfence  }
0xb7: {  	s30 =	sld [smem:$0x0];
	_ =	sdelay $0x2  }
0xb8: {  	s31 =	sshll.u32 s1, $0xD;
	s1 =	sshrl.u32 s1, $0x2  }
0xb9: {  	s3 =	sand.u32 $0x4000, s31;
	s1 =	sadd.s32 s1, s30  }
0xba: {  	s0 =	sor.u32 s3, s0;
	s1 =	sshll.u32 s1, $0x11  }
0xbb: {  	s0 =	sor.u32 s1, s0  }
0xbc: {  	s0 =	sadd.s32 $0x8F2B, s0  }
0xbd: {  	[sflag:s0] =	ssyncadd.remote.s32 $0x1  }
0xbe: {  	_ =	sfence.sel $0xFFFF  }
0xbf: {  	[dreg:$0x0] =	wrdreg $0xFFFFFFFF;
	(pc) =	sbr.abs _section_cstart, $3  }
0xc0: {  	[dreg:$0x1] =	wrdreg $0xFFFFFFFF  }
0xc1: {  	_ =	task.clear_ibuf [dreg:s7], $0x2FFFF;
	_ =	strace $0x9FFFFFFF  }
0xc2: {  	(tm) =	ssettm $0x7FFFFFFF  }
0xc3: {  	_ =	shalt  }
tec
execute0_lowered:
.L_overlay_start_1:
0x0: {  	(tag) =	ssettag $0x1  }
0x1: {  	s5 =	rddreg [dreg:$0x0]  }
0x2: {  	s1 =	rddreg [dreg:$0x1]  }
0x3: {  	s2 =	srdreg.scid;
	s0 =	rddreg [dreg:$0x2]  }
0x4: {  	s3 =	simm.s32 $0x0;
	s10 =	simm.s32 $0x3;
	s11 =	simm.s32 $0x2780  }
0x5: {  	s12 =	simm.s32 $0x40;
	s13 =	simm.s32 $0x2800;
	s14 =	simm.s32 $0x1  }
0x6: {  	s15 =	simm.s32 $0x2;
	s16 =	simm.s32 $0x0;
	[smem:$0x7FF] =	sst s3  }
.Ltmp0:
0x7: {  	s6 =	sand.u32 $0x1, s2;
	s2 =	stileid.u32;
	(pc) =	sbr.rel .LBB2_1-.Ltmp0, $4  }
0x8: {  	s4 =	sadd.s32 $0x1000, s5;
	s5 =	sadd.s32 $0xC0F000, s5;
	s7 =	ssub.s32 $0x2, s6  }
0x9: {  	_ =	strace $0x80000047;
	s9 =	sshll.u32 s2, $0x1;
	s8 =	sshrl.u32 s7, $0x1  }
0xa: {  	v1 =	vlaneseq.u32;
	s6 =	sor.u32 s6, s9;
	s9 =	simm.s32 $0x400;
	s7 =	ssub.s32 s7, s8  }
0xb: {  	v0 =	vimm.s32 $0x0;
	v1 =	vor.u32 $0x30, v1;
	s6 =	smul.u32 $0x140, s6;
	s8 =	simm.s32 $0x80;
	s7 =	smax.u32 s7, $0x1  }
.LBB2_7:
0xc: {  	s16 =	sadd.s32 $0x1, s16  }
0xd: {  	p0 =	sne.s32 s16, s7  }
.Ltmp1:
0xe: {  	_ = 	snop;
	(pc) =	sbr.rel @!p0 .LBB2_8-.Ltmp1, $1  }
0xf: {  	_ =	sdelay $0x3  }
.LBB2_1:
.Ltmp2:
0x10: {  	(pc) =	sbr.rel .LBB2_2-.Ltmp2, $4  }
0x11: {  	[tilespmem:$0x2780] =	vst v0  }
0x12: {  	[tilespmem:$0x2790] =	vst v0  }
0x13: {  	[tilespmem:$0x27A0] =	vst v0  }
0x14: {  	[tilespmem:$0x27B0] =	vst v0;
	s17 =	simm.s32 $0x0  }
.LBB2_6:
0x15: {  	s17 =	sadd.s32 $0x1, s17  }
0x16: {  	p0 =	sne.s32 s17, $0x140  }
.Ltmp3:
0x17: {  	_ = 	snop;
	(pc) =	sbr.rel @!p0 .LBB2_7-.Ltmp3, $1  }
0x18: {  	_ =	sdelay $0x3  }
.LBB2_2:
0x19: {  	s18 =	sadd.s32 s6, s17  }
0x1a: {  	p0 =	sgt.u32 s18, $0x270F  }
.Ltmp4:
0x1b: {  	_ = 	snop;
	(pc) =	sbr.rel @p0 .LBB2_6-.Ltmp4, $1  }
0x1c: {  	_ =	sdelay $0x3  }
0x1d: {  	s19 =	sshrl.u32 s18, $0x3  }
0x1e: {  	s20 =	sshll.u32 s17, $0x7;
	s19 =	smul.u32 $0x13C00, s19  }
0x1f: {  	s20 =	sand.u32 $0x380, s20  }
0x20: {  	s19 =	sor.u32 s20, s19  }
0x21: {  	s19 =	sshrl.u32 s19, $0x3  }
0x22: {  	s30 =	simm.s32 $0x0;
	s19 =	sadd.s32 s4, s19  }
0x23: {  	[tilespmem:s30], [sflag:$0x3] =	stream.strided.gather [hbm4b:s19+s8], $0x2780, s9, s8, $0x38;
	[tilespmem:$0x4800] =	vst v63  }
0x24: {  	_ =	swait.ge [sflag:s10], $0x2780  }
0x25: {  	[sflag:s10] =	ssyncset.done $0x0  }
0x26: {  	s31 =	simm.s32 $0x0;
	[sflag:s10] =	ssyncadd.s32 $0xFFFFD880  }
0x27: {  	v2 =	vld [tilespmem:s31+$0x0];
	_ =	sdelay $0x4  }
0x28: {  	v2 =	vadd.s32 $0xFFFFFFFF, v2  }
0x29: {  	vm0 =	vlt.u32 v2, $0x30  }
0x2a: {  	v3 =	vsel vm0, v2, v1;
	_ =	sdelay $0x3  }
0x2b: {  	v2 =	vlaneseq.u32  }
0x2c: {  	s20 =	simm.s32 $0x10;
	s19 =	simm.s32 $0x80;
	[tilespmem:v3+s11+$0x0] =	vst.idx.msk $0xffff, v2  }
.LBB2_4:
0x2d: {  	p0 =	sne.s32 s19, $0x9C00;
	v3 =	vld [tilespmem:s20+$0x0];
	_ =	sdelay $0x4  }
0x2e: {  	v3 =	vadd.s32 $0xFFFFFFFF, v3  }
0x2f: {  	vm0 =	vlt.u32 v3, $0x30  }
0x30: {  	v3 =	vsel vm0, v3, v1  }
.Ltmp5:
0x31: {  	(pc) =	sbr.rel @p0 .LBB2_4-.Ltmp5, $3  }
0x32: {  	_ =	sdelay $0x1  }
0x33: {  	v2 =	vadd.s32 $0x10, v2  }
0x34: {  	s20 =	sshra.s32 s19, $0x2;
	s19 =	sadd.s32 $0x40, s19;
	[tilespmem:v3+s11+$0x0] =	vst.idx.msk $0xffff, v2  }
0x35: {  	v3 =	vld [tilespmem:s20+$0x0];
	_ =	sdelay $0x4  }
0x36: {  	v3 =	vadd.s32 $0xFFFFFFFF, v3  }
0x37: {  	vm0 =	vlt.u32 v3, $0x30  }
0x38: {  	v3 =	vsel vm0, v3, v1;
	_ =	sdelay $0x3  }
0x39: {  	v2 =	vadd.s32 $0x10, v2  }
0x3a: {  	[tilespmem:v3+s11+$0x0] =	vst.idx.msk $0xffff, v2  }
0x3b: {  	[tilespmem:s13], [sflag:$0x1] =	stream.indirect.gather [hbm4b:s1+s12], $0x80, s11, s12, $0xb8;
	[tilespmem:$0x4800] =	vst v63  }
0x3c: {  	s18 =	smul.u32 $0x300, s18;
	_ =	swait.ge [sflag:s14], $0x2000  }
0x3d: {  	[sflag:s14] =	ssyncset.done $0x0  }
.Ltmp6:
0x3e: {  	s18 =	sadd.s32 s5, s18;
	[sflag:s14] =	ssyncadd.s32 $0xFFFFE000;
	(pc) =	sbr.rel .LBB2_6-.Ltmp6, $4  }
0x3f: {  	[hbm4b:s18+s3] =	stream.linear.scatter [tilespmem:s13], [sflag:$0x2], $0x1800, $0x38;
	[tilespmem:$0x4800] =	vst v63  }
0x40: {  	_ =	swait.ge [sflag:s15], $0x1800  }
0x41: {  	[sflag:s15] =	ssyncset.done $0x0  }
0x42: {  	[sflag:s15] =	ssyncadd.s32 $0xFFFFE800  }
.LBB2_8:
0x43: {  	_ =	sfence.sel $0x180000  }
0x44: {  	[bflag:$0x0] =	sbarrier.arrive $0xFFFF  }
0x45: {  	p0 =	sne.s32 s2, $0x0;
	_ =	strace $0x90000047  }
0x46: {  	s0 =	sadd.s32 @!p0 $0x100000, s0;
	[bflag:$0x2] =	sbarrier.arrive $0xFFFF  }
0x47: {  	[sflag:s0] =	ssyncadd.tile.s32 @!p0 $0x1;
	_ =	shalt  }
.Lfunc_end2:
_tile_overlayer_lowered:
.L_overlay_start_2:
0x48: {  	(tag) =	ssettag $0x2  }
0x49: {  	s0 =	rddreg [dreg:$0x0];
	s2 =	stileid.u32  }
0x4a: {  	s1 =	rddreg [dreg:$0x1];
	p0 =	sne.s32 s2, $0x0  }
0x4b: {  	s3 =	rddreg [dreg:$0x2];
	[bflag:$0x3] =	sbarrier.arrive $0xFFFF;
	s2 =	simm.s32 @!p0 $0x1C02  }
0x4c: {  	[timem:s3], [sflag:s2] =	dma.local @!p0 [hbm:s0], s1  }
0x4d: {  	s0 =	simm.s32 @!p0 $0x2  }
0x4e: {  	_ =	swait.ge @!p0 [sflag:s0], s1  }
0x4f: {  	s1 =	ssub.s32 @!p0 $0x0, s1;
	[sflag:s0] =	ssyncset.done @!p0 $0x0  }
0x50: {  	[sflag:s0] =	ssyncadd.s32 @!p0 s1  }
0x51: {  	[bflag:$0x3] =	sbarrier.arrive $0xFFFF  }
0x52: {  	_ =	shalt  }

</sc_bundles>
